<compile_context>
chip_gen: v7x
topology: tpu7x:2x2x1
jax: 0.10.2.dev20260603
libtpu: 0.0.44.dev20260713+nightly
codegen_flags: <defaults>
</compile_context>

<pallas_src>
import functools

import jax
import jax.numpy as jnp
from jax import lax
from jax.experimental import pallas as pl
from jax.experimental.pallas import tpu as pltpu
from jax.experimental.pallas import tpu_sc as plsc

_B = 16
_N = 20000
_IOU_THRESH = 0.2
_NC = 2
_NS = 16
_NW = _NC * _NS
_SC_NT = 32
_TC_START = _SC_NT * 128
_TC_BLK = 4096
_TC_GRID = (_N - _TC_START + _TC_BLK - 1) // _TC_BLK
_FIELDS = (0, 1, 2, 3, 6)


def _sc_partial_max(boxes_t, gt8):
    mesh = plsc.VectorSubcoreMesh(core_axis_name="c", subcore_axis_name="s")

    @functools.partial(
        pl.kernel,
        mesh=mesh,
        out_type=jax.ShapeDtypeStruct((_NW, 2, 128), jnp.float32),
        compiler_params=pltpu.CompilerParams(
            needs_layout_passes=False, use_tc_tiling_on_sc=True),
        scratch_types=[
            pltpu.VMEM((2, 4, _B, 128), jnp.float32),
            pltpu.VMEM((2, _B, 128), jnp.float32),
            pltpu.VMEM((_B, 128), jnp.float32),
            pltpu.VMEM((2, 128), jnp.float32),
            pltpu.SemaphoreType.DMA,
            pltpu.SemaphoreType.DMA,
        ],
    )
    def k(boxes_hbm, gt_hbm, out_hbm, bv, cv, gt_v, flat_v, sem0, sem1):
        cid = lax.axis_index("c")
        sid = lax.axis_index("s")
        wid = sid * _NC + cid

        pltpu.sync_copy(gt_hbm, gt_v)

        sems = (sem0, sem1)

        def start_tile(t, slot):
            pltpu.async_copy(
                boxes_hbm.at[pl.ds(0, 4), :, pl.ds(t * 128, 128)],
                bv.at[slot], sems[slot])
            pltpu.async_copy(
                boxes_hbm.at[6, :, pl.ds(t * 128, 128)],
                cv.at[slot], sems[slot])

        def wait_tile(t, slot):
            pltpu.make_async_copy(
                boxes_hbm.at[pl.ds(0, 4), :, pl.ds(t * 128, 128)],
                bv.at[slot], sems[slot]).wait()
            pltpu.make_async_copy(
                boxes_hbm.at[6, :, pl.ds(t * 128, 128)],
                cv.at[slot], sems[slot]).wait()

        neg = jnp.full((16,), -1e9, jnp.float32)
        c0 = jnp.full((16,), 0, jnp.int32)
        c1 = jnp.full((16,), 1, jnp.int32)
        c2 = jnp.full((16,), 2, jnp.int32)
        c3 = jnp.full((16,), 3, jnp.int32)

        start_tile(wid, 0)

        def process_tile(t, slot):
            wait_tile(t, slot)

            def img_body(b, _):
                brow = jnp.full((16,), b, jnp.int32)
                gx1 = plsc.load_gather(gt_v, [brow, c0])
                gy1 = plsc.load_gather(gt_v, [brow, c1])
                gx2 = plsc.load_gather(gt_v, [brow, c2])
                gy2 = plsc.load_gather(gt_v, [brow, c3])
                agv = (gx2 - gx1) * (gy2 - gy1)

                acc = neg
                for c in range(8):
                    sl = pl.ds(c * 16, 16)
                    x = bv[slot, 0, b, sl]
                    y = bv[slot, 1, b, sl]
                    w = bv[slot, 2, b, sl]
                    h = bv[slot, 3, b, sl]
                    cl = cv[slot, b, sl]
                    wh = w * 0.5
                    hh = h * 0.5
                    bx1 = x - wh
                    bx2 = x + wh
                    by1 = y - hh
                    by2 = y + hh
                    ix1 = jnp.maximum(bx1, gx1)
                    iy1 = jnp.maximum(by1, gy1)
                    ix2 = jnp.minimum(bx2, gx2)
                    iy2 = jnp.minimum(by2, gy2)
                    dx = jnp.maximum(ix2 - ix1, 0.0)
                    dy = jnp.maximum(iy2 - iy1, 0.0)
                    inter = dx * dy
                    area_b = w * h
                    iou = inter / ((area_b + agv) - inter)
                    val = jnp.where(cl == 0.0, iou, neg)
                    acc = jnp.maximum(acc, val)
                flat_v[b // 8, pl.ds((b % 8) * 16, 16)] = acc
                return 0

            lax.fori_loop(0, _B, img_body, 0)

        process_tile(wid, 0)
        pltpu.sync_copy(flat_v, out_hbm.at[wid])

    return k(boxes_t, gt8)


def _tc_range_body(x_ref, y_ref, w_ref, h_ref, c_ref, g_ref, tcp_ref,
                   acc_ref):
    g = pl.program_id(0)

    @pl.when(g == 0)
    def _():
        acc_ref[...] = jnp.full((_B, _TC_BLK), -1e9, jnp.float32)

    gx1 = g_ref[:, 0:1]
    gy1 = g_ref[:, 1:2]
    gx2 = g_ref[:, 2:3]
    gy2 = g_ref[:, 3:4]
    x = x_ref[0]
    y = y_ref[0]
    w = w_ref[0]
    h = h_ref[0]
    cl = c_ref[0]
    wh = w * 0.5
    hh = h * 0.5
    ix1 = jnp.maximum(x - wh, gx1)
    iy1 = jnp.maximum(y - hh, gy1)
    ix2 = jnp.minimum(x + wh, gx2)
    iy2 = jnp.minimum(y + hh, gy2)
    inter = jnp.maximum(ix2 - ix1, 0.0) * jnp.maximum(iy2 - iy1, 0.0)
    area_g = (gx2 - gx1) * (gy2 - gy1)
    iou = inter / ((w * h + area_g) - inter)
    n = (_TC_START + g * _TC_BLK
         + jax.lax.broadcasted_iota(jnp.int32, (_B, _TC_BLK), 1))
    ok = (cl == 0.0) & (n < _N)
    acc_ref[...] = jnp.maximum(acc_ref[...], jnp.where(ok, iou, -1e9))

    @pl.when(g == _TC_GRID - 1)
    def _():
        tcp_ref[...] = jnp.max(acc_ref[...], axis=1).reshape(1, _B)


def _tc_finish_body(p_ref, tcp_ref, mp_ref, dl_ref):
    p = jnp.max(p_ref[...], axis=0)
    pmax = jnp.max(p.reshape(2, 8, 16), axis=2).reshape(16)
    m = jnp.maximum(pmax, tcp_ref[0, :])
    m = jnp.where(m >= _IOU_THRESH, m, 0.0)
    mp_ref[...] = m.reshape(1, _B)
    dl_ref[...] = jnp.sum(m).reshape(1, 1) * (1.0 / _B)


def kernel(boxes, gt):
    boxes_t = jnp.transpose(boxes, (2, 0, 1))
    gt_n = gt * (1.0 / 416.0)
    gt8 = jnp.pad(gt_n, ((0, 0), (0, 124)))

    partials = _sc_partial_max(boxes_t, gt8)

    def field_spec(f):
        return pl.BlockSpec((1, _B, _TC_BLK),
                            lambda g, f=f: (f, 0, g + _TC_START // _TC_BLK))

    tcp = pl.pallas_call(
        _tc_range_body,
        grid=(_TC_GRID,),
        in_specs=[field_spec(f) for f in _FIELDS]
        + [pl.BlockSpec((_B, 128), lambda g: (0, 0))],
        out_specs=pl.BlockSpec((1, _B), lambda g: (0, 0)),
        out_shape=jax.ShapeDtypeStruct((1, _B), jnp.float32),
        scratch_shapes=[pltpu.VMEM((_B, _TC_BLK), jnp.float32)],
    )(boxes_t, boxes_t, boxes_t, boxes_t, boxes_t, gt8)

    mp, dl = pl.pallas_call(
        _tc_finish_body,
        out_shape=[
            jax.ShapeDtypeStruct((1, _B), jnp.float32),
            jax.ShapeDtypeStruct((1, 1), jnp.float32),
        ],
    )(partials, tcp)
    return dl[0, 0], mp.reshape(_B)

# --- scband reference (transcript-rebuilt; emitter-appended) ---
"""Pipeline reference for scband-yolov2-max-prob-extractor-55783035240523 (READ-ONLY COPY).

The authoritative reference and input builder live on the scoring server;
editing this copy changes nothing except your own understanding.
"""

import jax, jax.numpy as jnp
import numpy as np

B, N = 16, 20000
FIGSIZE = 416.0
CLS_ID = 0
NUM_CLS = 80
IOU_THRESH = 0.2


def setup_inputs(seed: int = 0) -> dict:
    key = jax.random.key(seed)
    k1, k2, k3, k4 = jax.random.split(key, 4)
    boxes = jax.random.uniform(k1, (B, N, 7), dtype=jnp.float32)
    # channel 6 is a (float-encoded) class id, as produced by get_region_boxes_general
    cls = jax.random.randint(k2, (B, N), 0, NUM_CLS).astype(jnp.float32)
    boxes = boxes.at[..., 6].set(cls)
    # keep box widths/heights modest so ious are nontrivial
    boxes = boxes.at[..., 2].set(boxes[..., 2] * 0.3 + 0.05)
    boxes = boxes.at[..., 3].set(boxes[..., 3] * 0.3 + 0.05)
    # ground-truth boxes in pixel coords (x1, y1, x2, y2), one per image
    gxy = jax.random.uniform(k3, (B, 2), dtype=jnp.float32) * (0.5 * FIGSIZE)
    gwh = jax.random.uniform(k4, (B, 2), dtype=jnp.float32) * (0.3 * FIGSIZE) + 0.1 * FIGSIZE
    gt = jnp.concatenate([gxy, gxy + gwh], axis=-1)
    return {"boxes": boxes, "gt": gt}


def reference(boxes, gt):
    # boxes: [B, N, 7] decoded yolo boxes (cx, cy, w, h, conf, cls_conf, cls_id)
    # gt:    [B, 4] pixel-space (x1, y1, x2, y2)
    x_c, y_c, w, h = boxes[..., 0], boxes[..., 1], boxes[..., 2], boxes[..., 3]
    w1 = x_c - w / 2
    h1 = y_c - h / 2
    w2 = x_c + w / 2
    h2 = y_c + h / 2
    bbox = jnp.stack([w1, h1, w2, h2], axis=-1) * FIGSIZE  # [B, N, 4]

    gx1 = gt[:, 0:1]
    gy1 = gt[:, 1:2]
    gx2 = gt[:, 2:3]
    gy2 = gt[:, 3:4]

    ix1 = jnp.maximum(bbox[..., 0], gx1)
    iy1 = jnp.maximum(bbox[..., 1], gy1)
    ix2 = jnp.minimum(bbox[..., 2], gx2)
    iy2 = jnp.minimum(bbox[..., 3], gy2)
    inter = jnp.clip(ix2 - ix1, 0.0) * jnp.clip(iy2 - iy1, 0.0)  # [B, N]

    area_b = (bbox[..., 2] - bbox[..., 0]) * (bbox[..., 3] - bbox[..., 1])
    area_g = (gx2 - gx1) * (gy2 - gy1)
    ious = inter / (area_b + area_g - inter)  # [B, N]

    # mask: iou >= thresh AND predicted class == target class (loss_type='max_iou')
    mask = (ious >= IOU_THRESH) & (boxes[..., 6] == float(CLS_ID))

    masked_ious = jnp.where(mask, ious, -1e9)
    has_any = jnp.any(mask, axis=1)                       # [B]
    max_iou = jnp.max(masked_ious, axis=1)                # [B]
    max_probs = jnp.where(has_any, max_iou, 0.0)          # [B]
    det_loss = jnp.mean(max_probs)
    return det_loss, max_probs

if __name__ == "__main__":
    import jax
    _d = setup_inputs()
    print(jax.jit(kernel)(*tuple(_d.values())))

</pallas_src>

<mosaic_0001>
#map = affine_map<(d0, d1) -> (0, 0, 0)>
#map1 = affine_map<(d0, d1) -> (0, 0)>
module attributes {stable_mosaic.version = 14 : i64} {
  func.func @k(%arg0: i32, %arg1: i32, %arg2: memref<7x16x20000xf32, #tpu.memory_space<hbm>>, %arg3: memref<16x128xf32, #tpu.memory_space<hbm>>, %arg4: memref<32x2x128xf32, #tpu.memory_space<hbm>>, %arg5: memref<2x4x16x128xf32, #tpu.memory_space<vmem>>, %arg6: memref<2x16x128xf32, #tpu.memory_space<vmem>>, %arg7: memref<16x128xf32, #tpu.memory_space<vmem>>, %arg8: memref<2x128xf32, #tpu.memory_space<vmem>>, %arg9: memref<!tpu.dma_semaphore, #tpu.memory_space<semaphore_mem>>, %arg10: memref<!tpu.dma_semaphore, #tpu.memory_space<semaphore_mem>>) attributes {dimension_semantics = [#tpu.dimension_semantics<core_parallel>, #tpu.dimension_semantics<subcore_parallel>], iteration_bounds = array<i64: 2, 16>, scalar_prefetch = 0 : i64, scratch_operands = 6 : i64, tpu.core_type = #tpu.core_type<sc_vector_subcore>, window_params = [{transform_indices = #map}, {transform_indices = #map1}, {transform_indices = #map}]} {
    %mul3A = arith.constant 2 : i32
    %mul3A_0 = arith.muli %arg1, %mul3A : i32
    %add3A = arith.addi %mul3A_0, %arg0 : i32
    "tpu.region"() ({
      %run_scoped3A = tpu.sem_alloc : memref<!tpu.dma_semaphore, #tpu.memory_space<semaphore_mem>>
      tpu.enqueue_dma source(%arg3 : memref<16x128xf32, #tpu.memory_space<hbm>>) target(%arg7 : memref<16x128xf32, #tpu.memory_space<vmem>>) target_semaphore(%run_scoped3A : memref<!tpu.dma_semaphore, #tpu.memory_space<semaphore_mem>>)
      tpu.wait_dma2 semaphore(%run_scoped3A : memref<!tpu.dma_semaphore, #tpu.memory_space<semaphore_mem>>) src(%arg3 : memref<16x128xf32, #tpu.memory_space<hbm>>) dst(%arg7 : memref<16x128xf32, #tpu.memory_space<vmem>>)
      tpu.yield
    }) : () -> ()
    %broadcast_in_dim3A = arith.constant -1.000000e+09 : f32
    %broadcast_in_dim3A_1 = vector.broadcast %broadcast_in_dim3A : f32 to vector<16xf32>
    %broadcast_in_dim3A_2 = arith.constant 0 : i32
    %broadcast_in_dim3A_3 = vector.broadcast %broadcast_in_dim3A_2 : i32 to vector<16xi32>
    %broadcast_in_dim3A_4 = arith.constant 1 : i32
    %broadcast_in_dim3A_5 = vector.broadcast %broadcast_in_dim3A_4 : i32 to vector<16xi32>
    %broadcast_in_dim3A_6 = arith.constant 2 : i32
    %broadcast_in_dim3A_7 = vector.broadcast %broadcast_in_dim3A_6 : i32 to vector<16xi32>
    %broadcast_in_dim3A_8 = arith.constant 3 : i32
    %broadcast_in_dim3A_9 = vector.broadcast %broadcast_in_dim3A_8 : i32 to vector<16xi32>
    %mul3A_10 = arith.constant 128 : i32
    %mul3A_11 = arith.muli %add3A, %mul3A_10 : i32
    %dma_start3A = arith.constant 0 : i32
    %dma_start3A_12 = arith.constant 0 : i32
    %dma_start3A_13 = arith.constant 0 : i32
    %dma_start3A_14 = arith.constant 0 : i32
    %dma_start3A_15 = tpu.memref_slice %arg5[%dma_start3A, %dma_start3A_12, %dma_start3A_13, %dma_start3A_14] : memref<2x4x16x128xf32, #tpu.memory_space<vmem>> -> memref<1x4x16x128xf32, #tpu.memory_space<vmem>>
    %dma_start3A_16 = tpu.memref_squeeze %dma_start3A_15 : memref<1x4x16x128xf32, #tpu.memory_space<vmem>> -> memref<4x16x128xf32, #tpu.memory_space<vmem>>
    %dma_start3A_17 = arith.constant 0 : i32
    %dma_start3A_18 = arith.constant 0 : i32
    %dma_start3A_19 = tpu.memref_slice %arg2[%dma_start3A_17, %dma_start3A_18, %mul3A_11] : memref<7x16x20000xf32, #tpu.memory_space<hbm>> -> memref<4x16x128xf32, #tpu.memory_space<hbm>>
    %dma_start3A_20 = arith.constant 0 : i32
    %dma_start3A_21 = arith.constant 0 : i32
    %dma_start3A_22 = arith.constant 0 : i32
    %dma_start3A_23 = tpu.memref_slice %arg5[%dma_start3A, %dma_start3A_20, %dma_start3A_21, %dma_start3A_22] : memref<2x4x16x128xf32, #tpu.memory_space<vmem>> -> memref<1x4x16x128xf32, #tpu.memory_space<vmem>>
    %dma_start3A_24 = tpu.memref_squeeze %dma_start3A_23 : memref<1x4x16x128xf32, #tpu.memory_space<vmem>> -> memref<4x16x128xf32, #tpu.memory_space<vmem>>
    %dma_start3A_25 = arith.constant 0 : i32
    %dma_start3A_26 = arith.constant 0 : i32
    %dma_start3A_27 = tpu.memref_slice %arg2[%dma_start3A_25, %dma_start3A_26, %mul3A_11] : memref<7x16x20000xf32, #tpu.memory_space<hbm>> -> memref<4x16x128xf32, #tpu.memory_space<hbm>>
    tpu.enqueue_dma source(%dma_start3A_27 : memref<4x16x128xf32, #tpu.memory_space<hbm>>) target(%dma_start3A_24 : memref<4x16x128xf32, #tpu.memory_space<vmem>>) target_semaphore(%arg9 : memref<!tpu.dma_semaphore, #tpu.memory_space<semaphore_mem>>)
    %mul3A_28 = arith.constant 128 : i32
    %mul3A_29 = arith.muli %add3A, %mul3A_28 : i32
    %dma_start3A_30 = arith.constant 6 : i32
    %dma_start3A_31 = arith.constant 0 : i32
    %dma_start3A_32 = arith.constant 0 : i32
    %dma_start3A_33 = arith.constant 0 : i32
    %dma_start3A_34 = tpu.memref_slice %arg6[%dma_start3A_31, %dma_start3A_32, %dma_start3A_33] : memref<2x16x128xf32, #tpu.memory_space<vmem>> -> memref<1x16x128xf32, #tpu.memory_space<vmem>>
    %dma_start3A_35 = tpu.memref_squeeze %dma_start3A_34 : memref<1x16x128xf32, #tpu.memory_space<vmem>> -> memref<16x128xf32, #tpu.memory_space<vmem>>
    %dma_start3A_36 = arith.constant 0 : i32
    %dma_start3A_37 = tpu.memref_slice %arg2[%dma_start3A_30, %dma_start3A_36, %mul3A_29] : memref<7x16x20000xf32, #tpu.memory_space<hbm>> -> memref<1x16x128xf32, #tpu.memory_space<hbm>>
    %dma_start3A_38 = tpu.memref_squeeze %dma_start3A_37 : memref<1x16x128xf32, #tpu.memory_space<hbm>> -> memref<16x128xf32, #tpu.memory_space<hbm>>
    %dma_start3A_39 = arith.constant 0 : i32
    %dma_start3A_40 = arith.constant 0 : i32
    %dma_start3A_41 = tpu.memref_slice %arg6[%dma_start3A_31, %dma_start3A_39, %dma_start3A_40] : memref<2x16x128xf32, #tpu.memory_space<vmem>> -> memref<1x16x128xf32, #tpu.memory_space<vmem>>
    %dma_start3A_42 = tpu.memref_squeeze %dma_start3A_41 : memref<1x16x128xf32, #tpu.memory_space<vmem>> -> memref<16x128xf32, #tpu.memory_space<vmem>>
    %dma_start3A_43 = arith.constant 0 : i32
    %dma_start3A_44 = tpu.memref_slice %arg2[%dma_start3A_30, %dma_start3A_43, %mul3A_29] : memref<7x16x20000xf32, #tpu.memory_space<hbm>> -> memref<1x16x128xf32, #tpu.memory_space<hbm>>
    %dma_start3A_45 = tpu.memref_squeeze %dma_start3A_44 : memref<1x16x128xf32, #tpu.memory_space<hbm>> -> memref<16x128xf32, #tpu.memory_space<hbm>>
    tpu.enqueue_dma source(%dma_start3A_45 : memref<16x128xf32, #tpu.memory_space<hbm>>) target(%dma_start3A_42 : memref<16x128xf32, #tpu.memory_space<vmem>>) target_semaphore(%arg9 : memref<!tpu.dma_semaphore, #tpu.memory_space<semaphore_mem>>)
    %mul3A_46 = arith.constant 128 : i32
    %mul3A_47 = arith.muli %add3A, %mul3A_46 : i32
    %dma_wait3A = arith.constant 0 : i32
    %dma_wait3A_48 = arith.constant 0 : i32
    %dma_wait3A_49 = arith.constant 0 : i32
    %dma_wait3A_50 = arith.constant 0 : i32
    %dma_wait3A_51 = tpu.memref_slice %arg5[%dma_wait3A, %dma_wait3A_48, %dma_wait3A_49, %dma_wait3A_50] : memref<2x4x16x128xf32, #tpu.memory_space<vmem>> -> memref<1x4x16x128xf32, #tpu.memory_space<vmem>>
    %dma_wait3A_52 = tpu.memref_squeeze %dma_wait3A_51 : memref<1x4x16x128xf32, #tpu.memory_space<vmem>> -> memref<4x16x128xf32, #tpu.memory_space<vmem>>
    %dma_wait3A_53 = arith.constant 0 : i32
    %dma_wait3A_54 = arith.constant 0 : i32
    %dma_wait3A_55 = tpu.memref_slice %arg2[%dma_wait3A_53, %dma_wait3A_54, %mul3A_47] : memref<7x16x20000xf32, #tpu.memory_space<hbm>> -> memref<4x16x128xf32, #tpu.memory_space<hbm>>
    %dma_wait3A_56 = arith.constant 0 : i32
    %dma_wait3A_57 = arith.constant 0 : i32
    %dma_wait3A_58 = arith.constant 0 : i32
    %dma_wait3A_59 = tpu.memref_slice %arg5[%dma_wait3A, %dma_wait3A_56, %dma_wait3A_57, %dma_wait3A_58] : memref<2x4x16x128xf32, #tpu.memory_space<vmem>> -> memref<1x4x16x128xf32, #tpu.memory_space<vmem>>
    %dma_wait3A_60 = tpu.memref_squeeze %dma_wait3A_59 : memref<1x4x16x128xf32, #tpu.memory_space<vmem>> -> memref<4x16x128xf32, #tpu.memory_space<vmem>>
    %dma_wait3A_61 = arith.constant 0 : i32
    %dma_wait3A_62 = arith.constant 0 : i32
    %dma_wait3A_63 = tpu.memref_slice %arg2[%dma_wait3A_61, %dma_wait3A_62, %mul3A_47] : memref<7x16x20000xf32, #tpu.memory_space<hbm>> -> memref<4x16x128xf32, #tpu.memory_space<hbm>>
    tpu.wait_dma2 semaphore(%arg9 : memref<!tpu.dma_semaphore, #tpu.memory_space<semaphore_mem>>) src(%dma_wait3A_63 : memref<4x16x128xf32, #tpu.memory_space<hbm>>) dst(%dma_wait3A_60 : memref<4x16x128xf32, #tpu.memory_space<vmem>>)
    %mul3A_64 = arith.constant 128 : i32
    %mul3A_65 = arith.muli %add3A, %mul3A_64 : i32
    %dma_wait3A_66 = arith.constant 6 : i32
    %dma_wait3A_67 = arith.constant 0 : i32
    %dma_wait3A_68 = arith.constant 0 : i32
    %dma_wait3A_69 = arith.constant 0 : i32
    %dma_wait3A_70 = tpu.memref_slice %arg6[%dma_wait3A_67, %dma_wait3A_68, %dma_wait3A_69] : memref<2x16x128xf32, #tpu.memory_space<vmem>> -> memref<1x16x128xf32, #tpu.memory_space<vmem>>
    %dma_wait3A_71 = tpu.memref_squeeze %dma_wait3A_70 : memref<1x16x128xf32, #tpu.memory_space<vmem>> -> memref<16x128xf32, #tpu.memory_space<vmem>>
    %dma_wait3A_72 = arith.constant 0 : i32
    %dma_wait3A_73 = tpu.memref_slice %arg2[%dma_wait3A_66, %dma_wait3A_72, %mul3A_65] : memref<7x16x20000xf32, #tpu.memory_space<hbm>> -> memref<1x16x128xf32, #tpu.memory_space<hbm>>
    %dma_wait3A_74 = tpu.memref_squeeze %dma_wait3A_73 : memref<1x16x128xf32, #tpu.memory_space<hbm>> -> memref<16x128xf32, #tpu.memory_space<hbm>>
    %dma_wait3A_75 = arith.constant 0 : i32
    %dma_wait3A_76 = arith.constant 0 : i32
    %dma_wait3A_77 = tpu.memref_slice %arg6[%dma_wait3A_67, %dma_wait3A_75, %dma_wait3A_76] : memref<2x16x128xf32, #tpu.memory_space<vmem>> -> memref<1x16x128xf32, #tpu.memory_space<vmem>>
    %dma_wait3A_78 = tpu.memref_squeeze %dma_wait3A_77 : memref<1x16x128xf32, #tpu.memory_space<vmem>> -> memref<16x128xf32, #tpu.memory_space<vmem>>
    %dma_wait3A_79 = arith.constant 0 : i32
    %dma_wait3A_80 = tpu.memref_slice %arg2[%dma_wait3A_66, %dma_wait3A_79, %mul3A_65] : memref<7x16x20000xf32, #tpu.memory_space<hbm>> -> memref<1x16x128xf32, #tpu.memory_space<hbm>>
    %dma_wait3A_81 = tpu.memref_squeeze %dma_wait3A_80 : memref<1x16x128xf32, #tpu.memory_space<hbm>> -> memref<16x128xf32, #tpu.memory_space<hbm>>
    tpu.wait_dma2 semaphore(%arg9 : memref<!tpu.dma_semaphore, #tpu.memory_space<semaphore_mem>>) src(%dma_wait3A_81 : memref<16x128xf32, #tpu.memory_space<hbm>>) dst(%dma_wait3A_78 : memref<16x128xf32, #tpu.memory_space<vmem>>)
    %scan3A = arith.constant 0 : i32
    %scan3A_82 = arith.constant 0 : i32
    %scan3A_83 = arith.constant 16 : i32
    %scan3A_84 = arith.addi %scan3A_82, %scan3A_83 : i32
    %scan3A_85 = arith.constant 1 : i32
    %scan3A_86 = scf.for %scan3A_88 = %scan3A_82 to %scan3A_84 step %scan3A_85 iter_args(%scan3A_89 = %scan3A) -> (i32)  : i32 {
      %broadcast_in_dim3A_90 = vector.broadcast %scan3A_88 : i32 to vector<16xi32>
      %gather3A = tpu.vector_load_idx %arg7[%broadcast_in_dim3A_90, %broadcast_in_dim3A_3] : memref<16x128xf32, #tpu.memory_space<vmem>>[vector<16xi32>, vector<16xi32>], vector<16xf32>,
      %gather3A_91 = tpu.vector_load_idx %arg7[%broadcast_in_dim3A_90, %broadcast_in_dim3A_5] : memref<16x128xf32, #tpu.memory_space<vmem>>[vector<16xi32>, vector<16xi32>], vector<16xf32>,
      %gather3A_92 = tpu.vector_load_idx %arg7[%broadcast_in_dim3A_90, %broadcast_in_dim3A_7] : memref<16x128xf32, #tpu.memory_space<vmem>>[vector<16xi32>, vector<16xi32>], vector<16xf32>,
      %gather3A_93 = tpu.vector_load_idx %arg7[%broadcast_in_dim3A_90, %broadcast_in_dim3A_9] : memref<16x128xf32, #tpu.memory_space<vmem>>[vector<16xi32>, vector<16xi32>], vector<16xf32>,
      %sub3A = arith.subf %gather3A_92, %gather3A : vector<16xf32>
      %sub3A_94 = arith.subf %gather3A_93, %gather3A_91 : vector<16xf32>
      %mul3A_95 = arith.mulf %sub3A, %sub3A_94 : vector<16xf32>
      %get3A = arith.constant 0 : i32
      %get3A_96 = arith.constant 0 : i32
      %get3A_97 = arith.index_cast %get3A : i32 to index
      %get3A_98 = arith.index_cast %get3A_96 : i32 to index
      %get3A_99 = arith.index_cast %scan3A_88 : i32 to index
      %get3A_100 = arith.constant 0 : index
      %get3A_101 = tpu.vector_load %arg5[%get3A_97, %get3A_98, %get3A_99, %get3A_100] {strides = array<i32>} : memref<2x4x16x128xf32, #tpu.memory_space<vmem>>, vector<16xf32>,
      %get3A_102 = arith.constant 0 : i32
      %get3A_103 = arith.constant 1 : i32
      %get3A_104 = arith.index_cast %get3A_102 : i32 to index
      %get3A_105 = arith.index_cast %get3A_103 : i32 to index
      %get3A_106 = arith.index_cast %scan3A_88 : i32 to index
      %get3A_107 = arith.constant 0 : index
      %get3A_108 = tpu.vector_load %arg5[%get3A_104, %get3A_105, %get3A_106, %get3A_107] {strides = array<i32>} : memref<2x4x16x128xf32, #tpu.memory_space<vmem>>, vector<16xf32>,
      %get3A_109 = arith.constant 0 : i32
      %get3A_110 = arith.constant 2 : i32
      %get3A_111 = arith.index_cast %get3A_109 : i32 to index
      %get3A_112 = arith.index_cast %get3A_110 : i32 to index
      %get3A_113 = arith.index_cast %scan3A_88 : i32 to index
      %get3A_114 = arith.constant 0 : index
      %get3A_115 = tpu.vector_load %arg5[%get3A_111, %get3A_112, %get3A_113, %get3A_114] {strides = array<i32>} : memref<2x4x16x128xf32, #tpu.memory_space<vmem>>, vector<16xf32>,
      %get3A_116 = arith.constant 0 : i32
      %get3A_117 = arith.constant 3 : i32
      %get3A_118 = arith.index_cast %get3A_116 : i32 to index
      %get3A_119 = arith.index_cast %get3A_117 : i32 to index
      %get3A_120 = arith.index_cast %scan3A_88 : i32 to index
      %get3A_121 = arith.constant 0 : index
      %get3A_122 = tpu.vector_load %arg5[%get3A_118, %get3A_119, %get3A_120, %get3A_121] {strides = array<i32>} : memref<2x4x16x128xf32, #tpu.memory_space<vmem>>, vector<16xf32>,
      %get3A_123 = arith.constant 0 : i32
      %get3A_124 = arith.index_cast %get3A_123 : i32 to index
      %get3A_125 = arith.index_cast %scan3A_88 : i32 to index
      %get3A_126 = arith.constant 0 : index
      %get3A_127 = tpu.vector_load %arg6[%get3A_124, %get3A_125, %get3A_126] {strides = array<i32>} : memref<2x16x128xf32, #tpu.memory_space<vmem>>, vector<16xf32>,
      %mul3A_128 = arith.constant 5.000000e-01 : f32
      %mul3A_129 = vector.broadcast %mul3A_128 : f32 to vector<16xf32>
      %mul3A_130 = arith.mulf %get3A_115, %mul3A_129 : vector<16xf32>
      %mul3A_131 = arith.constant 5.000000e-01 : f32
      %mul3A_132 = vector.broadcast %mul3A_131 : f32 to vector<16xf32>
      %mul3A_133 = arith.mulf %get3A_122, %mul3A_132 : vector<16xf32>
      %sub3A_134 = arith.subf %get3A_101, %mul3A_130 : vector<16xf32>
      %add3A_135 = arith.addf %get3A_101, %mul3A_130 : vector<16xf32>
      %sub3A_136 = arith.subf %get3A_108, %mul3A_133 : vector<16xf32>
      %add3A_137 = arith.addf %get3A_108, %mul3A_133 : vector<16xf32>
      %max3A = arith.maximumf %sub3A_134, %gather3A : vector<16xf32>
      %max3A_138 = arith.maximumf %sub3A_136, %gather3A_91 : vector<16xf32>
      %min3A = arith.minimumf %add3A_135, %gather3A_92 : vector<16xf32>
      %min3A_139 = arith.minimumf %add3A_137, %gather3A_93 : vector<16xf32>
      %sub3A_140 = arith.subf %min3A, %max3A : vector<16xf32>
      %max3A_141 = arith.constant 0.000000e+00 : f32
      %max3A_142 = vector.broadcast %max3A_141 : f32 to vector<16xf32>
      %max3A_143 = arith.maximumf %sub3A_140, %max3A_142 : vector<16xf32>
      %sub3A_144 = arith.subf %min3A_139, %max3A_138 : vector<16xf32>
      %max3A_145 = arith.constant 0.000000e+00 : f32
      %max3A_146 = vector.broadcast %max3A_145 : f32 to vector<16xf32>
      %max3A_147 = arith.maximumf %sub3A_144, %max3A_146 : vector<16xf32>
      %mul3A_148 = arith.mulf %max3A_143, %max3A_147 : vector<16xf32>
      %mul3A_149 = arith.mulf %get3A_115, %get3A_122 : vector<16xf32>
      %add3A_150 = arith.addf %mul3A_149, %mul3A_95 : vector<16xf32>
      %sub3A_151 = arith.subf %add3A_150, %mul3A_148 : vector<16xf32>
      %div3A = arith.divf %mul3A_148, %sub3A_151 : vector<16xf32>
      %eq3A = arith.constant 0.000000e+00 : f32
      %eq3A_152 = vector.broadcast %eq3A : f32 to vector<16xf32>
      %eq3A_153 = arith.cmpf oeq, %get3A_127, %eq3A_152 : vector<16xf32>
      %select_n3A = arith.select %eq3A_153, %div3A, %broadcast_in_dim3A_1 : vector<16xi1>, vector<16xf32>
      %max3A_154 = arith.maximumf %broadcast_in_dim3A_1, %select_n3A : vector<16xf32>
      %get3A_155 = arith.constant 0 : i32
      %get3A_156 = arith.constant 0 : i32
      %get3A_157 = arith.index_cast %get3A_155 : i32 to index
      %get3A_158 = arith.index_cast %get3A_156 : i32 to index
      %get3A_159 = arith.index_cast %scan3A_88 : i32 to index
      %get3A_160 = arith.constant 16 : index
      %get3A_161 = tpu.vector_load %arg5[%get3A_157, %get3A_158, %get3A_159, %get3A_160] {strides = array<i32>} : memref<2x4x16x128xf32, #tpu.memory_space<vmem>>, vector<16xf32>,
      %get3A_162 = arith.constant 0 : i32
      %get3A_163 = arith.constant 1 : i32
      %get3A_164 = arith.index_cast %get3A_162 : i32 to index
      %get3A_165 = arith.index_cast %get3A_163 : i32 to index
      %get3A_166 = arith.index_cast %scan3A_88 : i32 to index
      %get3A_167 = arith.constant 16 : index
      %get3A_168 = tpu.vector_load %arg5[%get3A_164, %get3A_165, %get3A_166, %get3A_167] {strides = array<i32>} : memref<2x4x16x128xf32, #tpu.memory_space<vmem>>, vector<16xf32>,
      %get3A_169 = arith.constant 0 : i32
      %get3A_170 = arith.constant 2 : i32
      %get3A_171 = arith.index_cast %get3A_169 : i32 to index
      %get3A_172 = arith.index_cast %get3A_170 : i32 to index
      %get3A_173 = arith.index_cast %scan3A_88 : i32 to index
      %get3A_174 = arith.constant 16 : index
      %get3A_175 = tpu.vector_load %arg5[%get3A_171, %get3A_172, %get3A_173, %get3A_174] {strides = array<i32>} : memref<2x4x16x128xf32, #tpu.memory_space<vmem>>, vector<16xf32>,
      %get3A_176 = arith.constant 0 : i32
      %get3A_177 = arith.constant 3 : i32
      %get3A_178 = arith.index_cast %get3A_176 : i32 to index
      %get3A_179 = arith.index_cast %get3A_177 : i32 to index
      %get3A_180 = arith.index_cast %scan3A_88 : i32 to index
      %get3A_181 = arith.constant 16 : index
      %get3A_182 = tpu.vector_load %arg5[%get3A_178, %get3A_179, %get3A_180, %get3A_181] {strides = array<i32>} : memref<2x4x16x128xf32, #tpu.memory_space<vmem>>, vector<16xf32>,
      %get3A_183 = arith.constant 0 : i32
      %get3A_184 = arith.index_cast %get3A_183 : i32 to index
      %get3A_185 = arith.index_cast %scan3A_88 : i32 to index
      %get3A_186 = arith.constant 16 : index
      %get3A_187 = tpu.vector_load %arg6[%get3A_184, %get3A_185, %get3A_186] {strides = array<i32>} : memref<2x16x128xf32, #tpu.memory_space<vmem>>, vector<16xf32>,
      %mul3A_188 = arith.constant 5.000000e-01 : f32
      %mul3A_189 = vector.broadcast %mul3A_188 : f32 to vector<16xf32>
      %mul3A_190 = arith.mulf %get3A_175, %mul3A_189 : vector<16xf32>
      %mul3A_191 = arith.constant 5.000000e-01 : f32
      %mul3A_192 = vector.broadcast %mul3A_191 : f32 to vector<16xf32>
      %mul3A_193 = arith.mulf %get3A_182, %mul3A_192 : vector<16xf32>
      %sub3A_194 = arith.subf %get3A_161, %mul3A_190 : vector<16xf32>
      %add3A_195 = arith.addf %get3A_161, %mul3A_190 : vector<16xf32>
      %sub3A_196 = arith.subf %get3A_168, %mul3A_193 : vector<16xf32>
      %add3A_197 = arith.addf %get3A_168, %mul3A_193 : vector<16xf32>
      %max3A_198 = arith.maximumf %sub3A_194, %gather3A : vector<16xf32>
      %max3A_199 = arith.maximumf %sub3A_196, %gather3A_91 : vector<16xf32>
      %min3A_200 = arith.minimumf %add3A_195, %gather3A_92 : vector<16xf32>
      %min3A_201 = arith.minimumf %add3A_197, %gather3A_93 : vector<16xf32>
      %sub3A_202 = arith.subf %min3A_200, %max3A_198 : vector<16xf32>
      %max3A_203 = arith.constant 0.000000e+00 : f32
      %max3A_204 = vector.broadcast %max3A_203 : f32 to vector<16xf32>
      %max3A_205 = arith.maximumf %sub3A_202, %max3A_204 : vector<16xf32>
      %sub3A_206 = arith.subf %min3A_201, %max3A_199 : vector<16xf32>
      %max3A_207 = arith.constant 0.000000e+00 : f32
      %max3A_208 = vector.broadcast %max3A_207 : f32 to vector<16xf32>
      %max3A_209 = arith.maximumf %sub3A_206, %max3A_208 : vector<16xf32>
      %mul3A_210 = arith.mulf %max3A_205, %max3A_209 : vector<16xf32>
      %mul3A_211 = arith.mulf %get3A_175, %get3A_182 : vector<16xf32>
      %add3A_212 = arith.addf %mul3A_211, %mul3A_95 : vector<16xf32>
      %sub3A_213 = arith.subf %add3A_212, %mul3A_210 : vector<16xf32>
      %div3A_214 = arith.divf %mul3A_210, %sub3A_213 : vector<16xf32>
      %eq3A_215 = arith.constant 0.000000e+00 : f32
      %eq3A_216 = vector.broadcast %eq3A_215 : f32 to vector<16xf32>
      %eq3A_217 = arith.cmpf oeq, %get3A_187, %eq3A_216 : vector<16xf32>
      %select_n3A_218 = arith.select %eq3A_217, %div3A_214, %broadcast_in_dim3A_1 : vector<16xi1>, vector<16xf32>
      %max3A_219 = arith.maximumf %max3A_154, %select_n3A_218 : vector<16xf32>
      %get3A_220 = arith.constant 0 : i32
      %get3A_221 = arith.constant 0 : i32
      %get3A_222 = arith.index_cast %get3A_220 : i32 to index
      %get3A_223 = arith.index_cast %get3A_221 : i32 to index
      %get3A_224 = arith.index_cast %scan3A_88 : i32 to index
      %get3A_225 = arith.constant 32 : index
      %get3A_226 = tpu.vector_load %arg5[%get3A_222, %get3A_223, %get3A_224, %get3A_225] {strides = array<i32>} : memref<2x4x16x128xf32, #tpu.memory_space<vmem>>, vector<16xf32>,
      %get3A_227 = arith.constant 0 : i32
      %get3A_228 = arith.constant 1 : i32
      %get3A_229 = arith.index_cast %get3A_227 : i32 to index
      %get3A_230 = arith.index_cast %get3A_228 : i32 to index
      %get3A_231 = arith.index_cast %scan3A_88 : i32 to index
      %get3A_232 = arith.constant 32 : index
      %get3A_233 = tpu.vector_load %arg5[%get3A_229, %get3A_230, %get3A_231, %get3A_232] {strides = array<i32>} : memref<2x4x16x128xf32, #tpu.memory_space<vmem>>, vector<16xf32>,
      %get3A_234 = arith.constant 0 : i32
      %get3A_235 = arith.constant 2 : i32
      %get3A_236 = arith.index_cast %get3A_234 : i32 to index
      %get3A_237 = arith.index_cast %get3A_235 : i32 to index
      %get3A_238 = arith.index_cast %scan3A_88 : i32 to index
      %get3A_239 = arith.constant 32 : index
      %get3A_240 = tpu.vector_load %arg5[%get3A_236, %get3A_237, %get3A_238, %get3A_239] {strides = array<i32>} : memref<2x4x16x128xf32, #tpu.memory_space<vmem>>, vector<16xf32>,
      %get3A_241 = arith.constant 0 : i32
      %get3A_242 = arith.constant 3 : i32
      %get3A_243 = arith.index_cast %get3A_241 : i32 to index
      %get3A_244 = arith.index_cast %get3A_242 : i32 to index
      %get3A_245 = arith.index_cast %scan3A_88 : i32 to index
      %get3A_246 = arith.constant 32 : index
      %get3A_247 = tpu.vector_load %arg5[%get3A_243, %get3A_244, %get3A_245, %get3A_246] {strides = array<i32>} : memref<2x4x16x128xf32, #tpu.memory_space<vmem>>, vector<16xf32>,
      %get3A_248 = arith.constant 0 : i32
      %get3A_249 = arith.index_cast %get3A_248 : i32 to index
      %get3A_250 = arith.index_cast %scan3A_88 : i32 to index
      %get3A_251 = arith.constant 32 : index
      %get3A_252 = tpu.vector_load %arg6[%get3A_249, %get3A_250, %get3A_251] {strides = array<i32>} : memref<2x16x128xf32, #tpu.memory_space<vmem>>, vector<16xf32>,
      %mul3A_253 = arith.constant 5.000000e-01 : f32
      %mul3A_254 = vector.broadcast %mul3A_253 : f32 to vector<16xf32>
      %mul3A_255 = arith.mulf %get3A_240, %mul3A_254 : vector<16xf32>
      %mul3A_256 = arith.constant 5.000000e-01 : f32
      %mul3A_257 = vector.broadcast %mul3A_256 : f32 to vector<16xf32>
      %mul3A_258 = arith.mulf %get3A_247, %mul3A_257 : vector<16xf32>
      %sub3A_259 = arith.subf %get3A_226, %mul3A_255 : vector<16xf32>
      %add3A_260 = arith.addf %get3A_226, %mul3A_255 : vector<16xf32>
      %sub3A_261 = arith.subf %get3A_233, %mul3A_258 : vector<16xf32>
      %add3A_262 = arith.addf %get3A_233, %mul3A_258 : vector<16xf32>
      %max3A_263 = arith.maximumf %sub3A_259, %gather3A : vector<16xf32>
      %max3A_264 = arith.maximumf %sub3A_261, %gather3A_91 : vector<16xf32>
      %min3A_265 = arith.minimumf %add3A_260, %gather3A_92 : vector<16xf32>
      %min3A_266 = arith.minimumf %add3A_262, %gather3A_93 : vector<16xf32>
      %sub3A_267 = arith.subf %min3A_265, %max3A_263 : vector<16xf32>
      %max3A_268 = arith.constant 0.000000e+00 : f32
      %max3A_269 = vector.broadcast %max3A_268 : f32 to vector<16xf32>
      %max3A_270 = arith.maximumf %sub3A_267, %max3A_269 : vector<16xf32>
      %sub3A_271 = arith.subf %min3A_266, %max3A_264 : vector<16xf32>
      %max3A_272 = arith.constant 0.000000e+00 : f32
      %max3A_273 = vector.broadcast %max3A_272 : f32 to vector<16xf32>
      %max3A_274 = arith.maximumf %sub3A_271, %max3A_273 : vector<16xf32>
      %mul3A_275 = arith.mulf %max3A_270, %max3A_274 : vector<16xf32>
      %mul3A_276 = arith.mulf %get3A_240, %get3A_247 : vector<16xf32>
      %add3A_277 = arith.addf %mul3A_276, %mul3A_95 : vector<16xf32>
      %sub3A_278 = arith.subf %add3A_277, %mul3A_275 : vector<16xf32>
      %div3A_279 = arith.divf %mul3A_275, %sub3A_278 : vector<16xf32>
      %eq3A_280 = arith.constant 0.000000e+00 : f32
      %eq3A_281 = vector.broadcast %eq3A_280 : f32 to vector<16xf32>
      %eq3A_282 = arith.cmpf oeq, %get3A_252, %eq3A_281 : vector<16xf32>
      %select_n3A_283 = arith.select %eq3A_282, %div3A_279, %broadcast_in_dim3A_1 : vector<16xi1>, vector<16xf32>
      %max3A_284 = arith.maximumf %max3A_219, %select_n3A_283 : vector<16xf32>
      %get3A_285 = arith.constant 0 : i32
      %get3A_286 = arith.constant 0 : i32
      %get3A_287 = arith.index_cast %get3A_285 : i32 to index
      %get3A_288 = arith.index_cast %get3A_286 : i32 to index
      %get3A_289 = arith.index_cast %scan3A_88 : i32 to index
      %get3A_290 = arith.constant 48 : index
      %get3A_291 = tpu.vector_load %arg5[%get3A_287, %get3A_288, %get3A_289, %get3A_290] {strides = array<i32>} : memref<2x4x16x128xf32, #tpu.memory_space<vmem>>, vector<16xf32>,
      %get3A_292 = arith.constant 0 : i32
      %get3A_293 = arith.constant 1 : i32
      %get3A_294 = arith.index_cast %get3A_292 : i32 to index
      %get3A_295 = arith.index_cast %get3A_293 : i32 to index
      %get3A_296 = arith.index_cast %scan3A_88 : i32 to index
      %get3A_297 = arith.constant 48 : index
      %get3A_298 = tpu.vector_load %arg5[%get3A_294, %get3A_295, %get3A_296, %get3A_297] {strides = array<i32>} : memref<2x4x16x128xf32, #tpu.memory_space<vmem>>, vector<16xf32>,
      %get3A_299 = arith.constant 0 : i32
      %get3A_300 = arith.constant 2 : i32
      %get3A_301 = arith.index_cast %get3A_299 : i32 to index
      %get3A_302 = arith.index_cast %get3A_300 : i32 to index
      %get3A_303 = arith.index_cast %scan3A_88 : i32 to index
      %get3A_304 = arith.constant 48 : index
      %get3A_305 = tpu.vector_load %arg5[%get3A_301, %get3A_302, %get3A_303, %get3A_304] {strides = array<i32>} : memref<2x4x16x128xf32, #tpu.memory_space<vmem>>, vector<16xf32>,
      %get3A_306 = arith.constant 0 : i32
      %get3A_307 = arith.constant 3 : i32
      %get3A_308 = arith.index_cast %get3A_306 : i32 to index
      %get3A_309 = arith.index_cast %get3A_307 : i32 to index
      %get3A_310 = arith.index_cast %scan3A_88 : i32 to index
      %get3A_311 = arith.constant 48 : index
      %get3A_312 = tpu.vector_load %arg5[%get3A_308, %get3A_309, %get3A_310, %get3A_311] {strides = array<i32>} : memref<2x4x16x128xf32, #tpu.memory_space<vmem>>, vector<16xf32>,
      %get3A_313 = arith.constant 0 : i32
      %get3A_314 = arith.index_cast %get3A_313 : i32 to index
      %get3A_315 = arith.index_cast %scan3A_88 : i32 to index
      %get3A_316 = arith.constant 48 : index
      %get3A_317 = tpu.vector_load %arg6[%get3A_314, %get3A_315, %get3A_316] {strides = array<i32>} : memref<2x16x128xf32, #tpu.memory_space<vmem>>, vector<16xf32>,
      %mul3A_318 = arith.constant 5.000000e-01 : f32
      %mul3A_319 = vector.broadcast %mul3A_318 : f32 to vector<16xf32>
      %mul3A_320 = arith.mulf %get3A_305, %mul3A_319 : vector<16xf32>
      %mul3A_321 = arith.constant 5.000000e-01 : f32
      %mul3A_322 = vector.broadcast %mul3A_321 : f32 to vector<16xf32>
      %mul3A_323 = arith.mulf %get3A_312, %mul3A_322 : vector<16xf32>
      %sub3A_324 = arith.subf %get3A_291, %mul3A_320 : vector<16xf32>
      %add3A_325 = arith.addf %get3A_291, %mul3A_320 : vector<16xf32>
      %sub3A_326 = arith.subf %get3A_298, %mul3A_323 : vector<16xf32>
      %add3A_327 = arith.addf %get3A_298, %mul3A_323 : vector<16xf32>
      %max3A_328 = arith.maximumf %sub3A_324, %gather3A : vector<16xf32>
      %max3A_329 = arith.maximumf %sub3A_326, %gather3A_91 : vector<16xf32>
      %min3A_330 = arith.minimumf %add3A_325, %gather3A_92 : vector<16xf32>
      %min3A_331 = arith.minimumf %add3A_327, %gather3A_93 : vector<16xf32>
      %sub3A_332 = arith.subf %min3A_330, %max3A_328 : vector<16xf32>
      %max3A_333 = arith.constant 0.000000e+00 : f32
      %max3A_334 = vector.broadcast %max3A_333 : f32 to vector<16xf32>
      %max3A_335 = arith.maximumf %sub3A_332, %max3A_334 : vector<16xf32>
      %sub3A_336 = arith.subf %min3A_331, %max3A_329 : vector<16xf32>
      %max3A_337 = arith.constant 0.000000e+00 : f32
      %max3A_338 = vector.broadcast %max3A_337 : f32 to vector<16xf32>
      %max3A_339 = arith.maximumf %sub3A_336, %max3A_338 : vector<16xf32>
      %mul3A_340 = arith.mulf %max3A_335, %max3A_339 : vector<16xf32>
      %mul3A_341 = arith.mulf %get3A_305, %get3A_312 : vector<16xf32>
      %add3A_342 = arith.addf %mul3A_341, %mul3A_95 : vector<16xf32>
      %sub3A_343 = arith.subf %add3A_342, %mul3A_340 : vector<16xf32>
      %div3A_344 = arith.divf %mul3A_340, %sub3A_343 : vector<16xf32>
      %eq3A_345 = arith.constant 0.000000e+00 : f32
      %eq3A_346 = vector.broadcast %eq3A_345 : f32 to vector<16xf32>
      %eq3A_347 = arith.cmpf oeq, %get3A_317, %eq3A_346 : vector<16xf32>
      %select_n3A_348 = arith.select %eq3A_347, %div3A_344, %broadcast_in_dim3A_1 : vector<16xi1>, vector<16xf32>
      %max3A_349 = arith.maximumf %max3A_284, %select_n3A_348 : vector<16xf32>
      %get3A_350 = arith.constant 0 : i32
      %get3A_351 = arith.constant 0 : i32
      %get3A_352 = arith.index_cast %get3A_350 : i32 to index
      %get3A_353 = arith.index_cast %get3A_351 : i32 to index
      %get3A_354 = arith.index_cast %scan3A_88 : i32 to index
      %get3A_355 = arith.constant 64 : index
      %get3A_356 = tpu.vector_load %arg5[%get3A_352, %get3A_353, %get3A_354, %get3A_355] {strides = array<i32>} : memref<2x4x16x128xf32, #tpu.memory_space<vmem>>, vector<16xf32>,
      %get3A_357 = arith.constant 0 : i32
      %get3A_358 = arith.constant 1 : i32
      %get3A_359 = arith.index_cast %get3A_357 : i32 to index
      %get3A_360 = arith.index_cast %get3A_358 : i32 to index
      %get3A_361 = arith.index_cast %scan3A_88 : i32 to index
      %get3A_362 = arith.constant 64 : index
      %get3A_363 = tpu.vector_load %arg5[%get3A_359, %get3A_360, %get3A_361, %get3A_362] {strides = array<i32>} : memref<2x4x16x128xf32, #tpu.memory_space<vmem>>, vector<16xf32>,
      %get3A_364 = arith.constant 0 : i32
      %get3A_365 = arith.constant 2 : i32
      %get3A_366 = arith.index_cast %get3A_364 : i32 to index
      %get3A_367 = arith.index_cast %get3A_365 : i32 to index
      %get3A_368 = arith.index_cast %scan3A_88 : i32 to index
      %get3A_369 = arith.constant 64 : index
      %get3A_370 = tpu.vector_load %arg5[%get3A_366, %get3A_367, %get3A_368, %get3A_369] {strides = array<i32>} : memref<2x4x16x128xf32, #tpu.memory_space<vmem>>, vector<16xf32>,
      %get3A_371 = arith.constant 0 : i32
      %get3A_372 = arith.constant 3 : i32
      %get3A_373 = arith.index_cast %get3A_371 : i32 to index
      %get3A_374 = arith.index_cast %get3A_372 : i32 to index
      %get3A_375 = arith.index_cast %scan3A_88 : i32 to index
      %get3A_376 = arith.constant 64 : index
      %get3A_377 = tpu.vector_load %arg5[%get3A_373, %get3A_374, %get3A_375, %get3A_376] {strides = array<i32>} : memref<2x4x16x128xf32, #tpu.memory_space<vmem>>, vector<16xf32>,
      %get3A_378 = arith.constant 0 : i32
      %get3A_379 = arith.index_cast %get3A_378 : i32 to index
      %get3A_380 = arith.index_cast %scan3A_88 : i32 to index
      %get3A_381 = arith.constant 64 : index
      %get3A_382 = tpu.vector_load %arg6[%get3A_379, %get3A_380, %get3A_381] {strides = array<i32>} : memref<2x16x128xf32, #tpu.memory_space<vmem>>, vector<16xf32>,
      %mul3A_383 = arith.constant 5.000000e-01 : f32
      %mul3A_384 = vector.broadcast %mul3A_383 : f32 to vector<16xf32>
      %mul3A_385 = arith.mulf %get3A_370, %mul3A_384 : vector<16xf32>
      %mul3A_386 = arith.constant 5.000000e-01 : f32
      %mul3A_387 = vector.broadcast %mul3A_386 : f32 to vector<16xf32>
      %mul3A_388 = arith.mulf %get3A_377, %mul3A_387 : vector<16xf32>
      %sub3A_389 = arith.subf %get3A_356, %mul3A_385 : vector<16xf32>
      %add3A_390 = arith.addf %get3A_356, %mul3A_385 : vector<16xf32>
      %sub3A_391 = arith.subf %get3A_363, %mul3A_388 : vector<16xf32>
      %add3A_392 = arith.addf %get3A_363, %mul3A_388 : vector<16xf32>
      %max3A_393 = arith.maximumf %sub3A_389, %gather3A : vector<16xf32>
      %max3A_394 = arith.maximumf %sub3A_391, %gather3A_91 : vector<16xf32>
      %min3A_395 = arith.minimumf %add3A_390, %gather3A_92 : vector<16xf32>
      %min3A_396 = arith.minimumf %add3A_392, %gather3A_93 : vector<16xf32>
      %sub3A_397 = arith.subf %min3A_395, %max3A_393 : vector<16xf32>
      %max3A_398 = arith.constant 0.000000e+00 : f32
      %max3A_399 = vector.broadcast %max3A_398 : f32 to vector<16xf32>
      %max3A_400 = arith.maximumf %sub3A_397, %max3A_399 : vector<16xf32>
      %sub3A_401 = arith.subf %min3A_396, %max3A_394 : vector<16xf32>
      %max3A_402 = arith.constant 0.000000e+00 : f32
      %max3A_403 = vector.broadcast %max3A_402 : f32 to vector<16xf32>
      %max3A_404 = arith.maximumf %sub3A_401, %max3A_403 : vector<16xf32>
      %mul3A_405 = arith.mulf %max3A_400, %max3A_404 : vector<16xf32>
      %mul3A_406 = arith.mulf %get3A_370, %get3A_377 : vector<16xf32>
      %add3A_407 = arith.addf %mul3A_406, %mul3A_95 : vector<16xf32>
      %sub3A_408 = arith.subf %add3A_407, %mul3A_405 : vector<16xf32>
      %div3A_409 = arith.divf %mul3A_405, %sub3A_408 : vector<16xf32>
      %eq3A_410 = arith.constant 0.000000e+00 : f32
      %eq3A_411 = vector.broadcast %eq3A_410 : f32 to vector<16xf32>
      %eq3A_412 = arith.cmpf oeq, %get3A_382, %eq3A_411 : vector<16xf32>
      %select_n3A_413 = arith.select %eq3A_412, %div3A_409, %broadcast_in_dim3A_1 : vector<16xi1>, vector<16xf32>
      %max3A_414 = arith.maximumf %max3A_349, %select_n3A_413 : vector<16xf32>
      %get3A_415 = arith.constant 0 : i32
      %get3A_416 = arith.constant 0 : i32
      %get3A_417 = arith.index_cast %get3A_415 : i32 to index
      %get3A_418 = arith.index_cast %get3A_416 : i32 to index
      %get3A_419 = arith.index_cast %scan3A_88 : i32 to index
      %get3A_420 = arith.constant 80 : index
      %get3A_421 = tpu.vector_load %arg5[%get3A_417, %get3A_418, %get3A_419, %get3A_420] {strides = array<i32>} : memref<2x4x16x128xf32, #tpu.memory_space<vmem>>, vector<16xf32>,
      %get3A_422 = arith.constant 0 : i32
      %get3A_423 = arith.constant 1 : i32
      %get3A_424 = arith.index_cast %get3A_422 : i32 to index
      %get3A_425 = arith.index_cast %get3A_423 : i32 to index
      %get3A_426 = arith.index_cast %scan3A_88 : i32 to index
      %get3A_427 = arith.constant 80 : index
      %get3A_428 = tpu.vector_load %arg5[%get3A_424, %get3A_425, %get3A_426, %get3A_427] {strides = array<i32>} : memref<2x4x16x128xf32, #tpu.memory_space<vmem>>, vector<16xf32>,
      %get3A_429 = arith.constant 0 : i32
      %get3A_430 = arith.constant 2 : i32
      %get3A_431 = arith.index_cast %get3A_429 : i32 to index
      %get3A_432 = arith.index_cast %get3A_430 : i32 to index
      %get3A_433 = arith.index_cast %scan3A_88 : i32 to index
      %get3A_434 = arith.constant 80 : index
      %get3A_435 = tpu.vector_load %arg5[%get3A_431, %get3A_432, %get3A_433, %get3A_434] {strides = array<i32>} : memref<2x4x16x128xf32, #tpu.memory_space<vmem>>, vector<16xf32>,
      %get3A_436 = arith.constant 0 : i32
      %get3A_437 = arith.constant 3 : i32
      %get3A_438 = arith.index_cast %get3A_436 : i32 to index
      %get3A_439 = arith.index_cast %get3A_437 : i32 to index
      %get3A_440 = arith.index_cast %scan3A_88 : i32 to index
      %get3A_441 = arith.constant 80 : index
      %get3A_442 = tpu.vector_load %arg5[%get3A_438, %get3A_439, %get3A_440, %get3A_441] {strides = array<i32>} : memref<2x4x16x128xf32, #tpu.memory_space<vmem>>, vector<16xf32>,
      %get3A_443 = arith.constant 0 : i32
      %get3A_444 = arith.index_cast %get3A_443 : i32 to index
      %get3A_445 = arith.index_cast %scan3A_88 : i32 to index
      %get3A_446 = arith.constant 80 : index
      %get3A_447 = tpu.vector_load %arg6[%get3A_444, %get3A_445, %get3A_446] {strides = array<i32>} : memref<2x16x128xf32, #tpu.memory_space<vmem>>, vector<16xf32>,
      %mul3A_448 = arith.constant 5.000000e-01 : f32
      %mul3A_449 = vector.broadcast %mul3A_448 : f32 to vector<16xf32>
      %mul3A_450 = arith.mulf %get3A_435, %mul3A_449 : vector<16xf32>
      %mul3A_451 = arith.constant 5.000000e-01 : f32
      %mul3A_452 = vector.broadcast %mul3A_451 : f32 to vector<16xf32>
      %mul3A_453 = arith.mulf %get3A_442, %mul3A_452 : vector<16xf32>
      %sub3A_454 = arith.subf %get3A_421, %mul3A_450 : vector<16xf32>
      %add3A_455 = arith.addf %get3A_421, %mul3A_450 : vector<16xf32>
      %sub3A_456 = arith.subf %get3A_428, %mul3A_453 : vector<16xf32>
      %add3A_457 = arith.addf %get3A_428, %mul3A_453 : vector<16xf32>
      %max3A_458 = arith.maximumf %sub3A_454, %gather3A : vector<16xf32>
      %max3A_459 = arith.maximumf %sub3A_456, %gather3A_91 : vector<16xf32>
      %min3A_460 = arith.minimumf %add3A_455, %gather3A_92 : vector<16xf32>
      %min3A_461 = arith.minimumf %add3A_457, %gather3A_93 : vector<16xf32>
      %sub3A_462 = arith.subf %min3A_460, %max3A_458 : vector<16xf32>
      %max3A_463 = arith.constant 0.000000e+00 : f32
      %max3A_464 = vector.broadcast %max3A_463 : f32 to vector<16xf32>
      %max3A_465 = arith.maximumf %sub3A_462, %max3A_464 : vector<16xf32>
      %sub3A_466 = arith.subf %min3A_461, %max3A_459 : vector<16xf32>
      %max3A_467 = arith.constant 0.000000e+00 : f32
      %max3A_468 = vector.broadcast %max3A_467 : f32 to vector<16xf32>
      %max3A_469 = arith.maximumf %sub3A_466, %max3A_468 : vector<16xf32>
      %mul3A_470 = arith.mulf %max3A_465, %max3A_469 : vector<16xf32>
      %mul3A_471 = arith.mulf %get3A_435, %get3A_442 : vector<16xf32>
      %add3A_472 = arith.addf %mul3A_471, %mul3A_95 : vector<16xf32>
      %sub3A_473 = arith.subf %add3A_472, %mul3A_470 : vector<16xf32>
      %div3A_474 = arith.divf %mul3A_470, %sub3A_473 : vector<16xf32>
      %eq3A_475 = arith.constant 0.000000e+00 : f32
      %eq3A_476 = vector.broadcast %eq3A_475 : f32 to vector<16xf32>
      %eq3A_477 = arith.cmpf oeq, %get3A_447, %eq3A_476 : vector<16xf32>
      %select_n3A_478 = arith.select %eq3A_477, %div3A_474, %broadcast_in_dim3A_1 : vector<16xi1>, vector<16xf32>
      %max3A_479 = arith.maximumf %max3A_414, %select_n3A_478 : vector<16xf32>
      %get3A_480 = arith.constant 0 : i32
      %get3A_481 = arith.constant 0 : i32
      %get3A_482 = arith.index_cast %get3A_480 : i32 to index
      %get3A_483 = arith.index_cast %get3A_481 : i32 to index
      %get3A_484 = arith.index_cast %scan3A_88 : i32 to index
      %get3A_485 = arith.constant 96 : index
      %get3A_486 = tpu.vector_load %arg5[%get3A_482, %get3A_483, %get3A_484, %get3A_485] {strides = array<i32>} : memref<2x4x16x128xf32, #tpu.memory_space<vmem>>, vector<16xf32>,
      %get3A_487 = arith.constant 0 : i32
      %get3A_488 = arith.constant 1 : i32
      %get3A_489 = arith.index_cast %get3A_487 : i32 to index
      %get3A_490 = arith.index_cast %get3A_488 : i32 to index
      %get3A_491 = arith.index_cast %scan3A_88 : i32 to index
      %get3A_492 = arith.constant 96 : index
      %get3A_493 = tpu.vector_load %arg5[%get3A_489, %get3A_490, %get3A_491, %get3A_492] {strides = array<i32>} : memref<2x4x16x128xf32, #tpu.memory_space<vmem>>, vector<16xf32>,
      %get3A_494 = arith.constant 0 : i32
      %get3A_495 = arith.constant 2 : i32
      %get3A_496 = arith.index_cast %get3A_494 : i32 to index
      %get3A_497 = arith.index_cast %get3A_495 : i32 to index
      %get3A_498 = arith.index_cast %scan3A_88 : i32 to index
      %get3A_499 = arith.constant 96 : index
      %get3A_500 = tpu.vector_load %arg5[%get3A_496, %get3A_497, %get3A_498, %get3A_499] {strides = array<i32>} : memref<2x4x16x128xf32, #tpu.memory_space<vmem>>, vector<16xf32>,
      %get3A_501 = arith.constant 0 : i32
      %get3A_502 = arith.constant 3 : i32
      %get3A_503 = arith.index_cast %get3A_501 : i32 to index
      %get3A_504 = arith.index_cast %get3A_502 : i32 to index
      %get3A_505 = arith.index_cast %scan3A_88 : i32 to index
      %get3A_506 = arith.constant 96 : index
      %get3A_507 = tpu.vector_load %arg5[%get3A_503, %get3A_504, %get3A_505, %get3A_506] {strides = array<i32>} : memref<2x4x16x128xf32, #tpu.memory_space<vmem>>, vector<16xf32>,
      %get3A_508 = arith.constant 0 : i32
      %get3A_509 = arith.index_cast %get3A_508 : i32 to index
      %get3A_510 = arith.index_cast %scan3A_88 : i32 to index
      %get3A_511 = arith.constant 96 : index
      %get3A_512 = tpu.vector_load %arg6[%get3A_509, %get3A_510, %get3A_511] {strides = array<i32>} : memref<2x16x128xf32, #tpu.memory_space<vmem>>, vector<16xf32>,
      %mul3A_513 = arith.constant 5.000000e-01 : f32
      %mul3A_514 = vector.broadcast %mul3A_513 : f32 to vector<16xf32>
      %mul3A_515 = arith.mulf %get3A_500, %mul3A_514 : vector<16xf32>
      %mul3A_516 = arith.constant 5.000000e-01 : f32
      %mul3A_517 = vector.broadcast %mul3A_516 : f32 to vector<16xf32>
      %mul3A_518 = arith.mulf %get3A_507, %mul3A_517 : vector<16xf32>
      %sub3A_519 = arith.subf %get3A_486, %mul3A_515 : vector<16xf32>
      %add3A_520 = arith.addf %get3A_486, %mul3A_515 : vector<16xf32>
      %sub3A_521 = arith.subf %get3A_493, %mul3A_518 : vector<16xf32>
      %add3A_522 = arith.addf %get3A_493, %mul3A_518 : vector<16xf32>
      %max3A_523 = arith.maximumf %sub3A_519, %gather3A : vector<16xf32>
      %max3A_524 = arith.maximumf %sub3A_521, %gather3A_91 : vector<16xf32>
      %min3A_525 = arith.minimumf %add3A_520, %gather3A_92 : vector<16xf32>
      %min3A_526 = arith.minimumf %add3A_522, %gather3A_93 : vector<16xf32>
      %sub3A_527 = arith.subf %min3A_525, %max3A_523 : vector<16xf32>
      %max3A_528 = arith.constant 0.000000e+00 : f32
      %max3A_529 = vector.broadcast %max3A_528 : f32 to vector<16xf32>
      %max3A_530 = arith.maximumf %sub3A_527, %max3A_529 : vector<16xf32>
      %sub3A_531 = arith.subf %min3A_526, %max3A_524 : vector<16xf32>
      %max3A_532 = arith.constant 0.000000e+00 : f32
      %max3A_533 = vector.broadcast %max3A_532 : f32 to vector<16xf32>
      %max3A_534 = arith.maximumf %sub3A_531, %max3A_533 : vector<16xf32>
      %mul3A_535 = arith.mulf %max3A_530, %max3A_534 : vector<16xf32>
      %mul3A_536 = arith.mulf %get3A_500, %get3A_507 : vector<16xf32>
      %add3A_537 = arith.addf %mul3A_536, %mul3A_95 : vector<16xf32>
      %sub3A_538 = arith.subf %add3A_537, %mul3A_535 : vector<16xf32>
      %div3A_539 = arith.divf %mul3A_535, %sub3A_538 : vector<16xf32>
      %eq3A_540 = arith.constant 0.000000e+00 : f32
      %eq3A_541 = vector.broadcast %eq3A_540 : f32 to vector<16xf32>
      %eq3A_542 = arith.cmpf oeq, %get3A_512, %eq3A_541 : vector<16xf32>
      %select_n3A_543 = arith.select %eq3A_542, %div3A_539, %broadcast_in_dim3A_1 : vector<16xi1>, vector<16xf32>
      %max3A_544 = arith.maximumf %max3A_479, %select_n3A_543 : vector<16xf32>
      %get3A_545 = arith.constant 0 : i32
      %get3A_546 = arith.constant 0 : i32
      %get3A_547 = arith.index_cast %get3A_545 : i32 to index
      %get3A_548 = arith.index_cast %get3A_546 : i32 to index
      %get3A_549 = arith.index_cast %scan3A_88 : i32 to index
      %get3A_550 = arith.constant 112 : index
      %get3A_551 = tpu.vector_load %arg5[%get3A_547, %get3A_548, %get3A_549, %get3A_550] {strides = array<i32>} : memref<2x4x16x128xf32, #tpu.memory_space<vmem>>, vector<16xf32>,
      %get3A_552 = arith.constant 0 : i32
      %get3A_553 = arith.constant 1 : i32
      %get3A_554 = arith.index_cast %get3A_552 : i32 to index
      %get3A_555 = arith.index_cast %get3A_553 : i32 to index
      %get3A_556 = arith.index_cast %scan3A_88 : i32 to index
      %get3A_557 = arith.constant 112 : index
      %get3A_558 = tpu.vector_load %arg5[%get3A_554, %get3A_555, %get3A_556, %get3A_557] {strides = array<i32>} : memref<2x4x16x128xf32, #tpu.memory_space<vmem>>, vector<16xf32>,
      %get3A_559 = arith.constant 0 : i32
      %get3A_560 = arith.constant 2 : i32
      %get3A_561 = arith.index_cast %get3A_559 : i32 to index
      %get3A_562 = arith.index_cast %get3A_560 : i32 to index
      %get3A_563 = arith.index_cast %scan3A_88 : i32 to index
      %get3A_564 = arith.constant 112 : index
      %get3A_565 = tpu.vector_load %arg5[%get3A_561, %get3A_562, %get3A_563, %get3A_564] {strides = array<i32>} : memref<2x4x16x128xf32, #tpu.memory_space<vmem>>, vector<16xf32>,
      %get3A_566 = arith.constant 0 : i32
      %get3A_567 = arith.constant 3 : i32
      %get3A_568 = arith.index_cast %get3A_566 : i32 to index
      %get3A_569 = arith.index_cast %get3A_567 : i32 to index
      %get3A_570 = arith.index_cast %scan3A_88 : i32 to index
      %get3A_571 = arith.constant 112 : index
      %get3A_572 = tpu.vector_load %arg5[%get3A_568, %get3A_569, %get3A_570, %get3A_571] {strides = array<i32>} : memref<2x4x16x128xf32, #tpu.memory_space<vmem>>, vector<16xf32>,
      %get3A_573 = arith.constant 0 : i32
      %get3A_574 = arith.index_cast %get3A_573 : i32 to index
      %get3A_575 = arith.index_cast %scan3A_88 : i32 to index
      %get3A_576 = arith.constant 112 : index
      %get3A_577 = tpu.vector_load %arg6[%get3A_574, %get3A_575, %get3A_576] {strides = array<i32>} : memref<2x16x128xf32, #tpu.memory_space<vmem>>, vector<16xf32>,
      %mul3A_578 = arith.constant 5.000000e-01 : f32
      %mul3A_579 = vector.broadcast %mul3A_578 : f32 to vector<16xf32>
      %mul3A_580 = arith.mulf %get3A_565, %mul3A_579 : vector<16xf32>
      %mul3A_581 = arith.constant 5.000000e-01 : f32
      %mul3A_582 = vector.broadcast %mul3A_581 : f32 to vector<16xf32>
      %mul3A_583 = arith.mulf %get3A_572, %mul3A_582 : vector<16xf32>
      %sub3A_584 = arith.subf %get3A_551, %mul3A_580 : vector<16xf32>
      %add3A_585 = arith.addf %get3A_551, %mul3A_580 : vector<16xf32>
      %sub3A_586 = arith.subf %get3A_558, %mul3A_583 : vector<16xf32>
      %add3A_587 = arith.addf %get3A_558, %mul3A_583 : vector<16xf32>
      %max3A_588 = arith.maximumf %sub3A_584, %gather3A : vector<16xf32>
      %max3A_589 = arith.maximumf %sub3A_586, %gather3A_91 : vector<16xf32>
      %min3A_590 = arith.minimumf %add3A_585, %gather3A_92 : vector<16xf32>
      %min3A_591 = arith.minimumf %add3A_587, %gather3A_93 : vector<16xf32>
      %sub3A_592 = arith.subf %min3A_590, %max3A_588 : vector<16xf32>
      %max3A_593 = arith.constant 0.000000e+00 : f32
      %max3A_594 = vector.broadcast %max3A_593 : f32 to vector<16xf32>
      %max3A_595 = arith.maximumf %sub3A_592, %max3A_594 : vector<16xf32>
      %sub3A_596 = arith.subf %min3A_591, %max3A_589 : vector<16xf32>
      %max3A_597 = arith.constant 0.000000e+00 : f32
      %max3A_598 = vector.broadcast %max3A_597 : f32 to vector<16xf32>
      %max3A_599 = arith.maximumf %sub3A_596, %max3A_598 : vector<16xf32>
      %mul3A_600 = arith.mulf %max3A_595, %max3A_599 : vector<16xf32>
      %mul3A_601 = arith.mulf %get3A_565, %get3A_572 : vector<16xf32>
      %add3A_602 = arith.addf %mul3A_601, %mul3A_95 : vector<16xf32>
      %sub3A_603 = arith.subf %add3A_602, %mul3A_600 : vector<16xf32>
      %div3A_604 = arith.divf %mul3A_600, %sub3A_603 : vector<16xf32>
      %eq3A_605 = arith.constant 0.000000e+00 : f32
      %eq3A_606 = vector.broadcast %eq3A_605 : f32 to vector<16xf32>
      %eq3A_607 = arith.cmpf oeq, %get3A_577, %eq3A_606 : vector<16xf32>
      %select_n3A_608 = arith.select %eq3A_607, %div3A_604, %broadcast_in_dim3A_1 : vector<16xi1>, vector<16xf32>
      %max3A_609 = arith.maximumf %max3A_544, %select_n3A_608 : vector<16xf32>
      %jit3A = arith.constant 8 : i32
      %div3A_610 = arith.divsi %scan3A_88, %jit3A : i32
      %sign3A = arith.constant 0 : i32
      %sign3A_611 = arith.cmpi sgt, %scan3A_88, %sign3A : i32
      %sign3A_612 = arith.extui %sign3A_611 : i1 to i32
      %sign3A_613 = arith.constant 0 : i32
      %sign3A_614 = arith.cmpi slt, %scan3A_88, %sign3A_613 : i32
      %sign3A_615 = arith.extui %sign3A_614 : i1 to i32
      %sign3A_616 = arith.subi %sign3A_612, %sign3A_615 : i32
      %sign3A_617 = arith.constant 0 : i32
      %sign3A_618 = arith.cmpi sgt, %jit3A, %sign3A_617 : i32
      %sign3A_619 = arith.extui %sign3A_618 : i1 to i32
      %sign3A_620 = arith.constant 0 : i32
      %sign3A_621 = arith.cmpi slt, %jit3A, %sign3A_620 : i32
      %sign3A_622 = arith.extui %sign3A_621 : i1 to i32
      %sign3A_623 = arith.subi %sign3A_619, %sign3A_622 : i32
      %ne3A = arith.cmpi ne, %sign3A_616, %sign3A_623 : i32
      %rem3A = arith.remsi %scan3A_88, %jit3A : i32
      %ne3A_624 = arith.constant 0 : i32
      %ne3A_625 = arith.cmpi ne, %rem3A, %ne3A_624 : i32
      %and3A = arith.andi %ne3A, %ne3A_625 : i1
      %sub3A_626 = arith.constant 1 : i32
      %sub3A_627 = arith.subi %div3A_610, %sub3A_626 : i32
      %select_n3A_628 = arith.select %and3A, %sub3A_627, %div3A_610 : i32
      %jit3A_629 = arith.constant 8 : i32
      %eq3A_630 = arith.constant 0 : i32
      %eq3A_631 = arith.cmpi eq, %jit3A_629, %eq3A_630 : i32
      %jit3A_632 = arith.constant 1 : i32
      %select_n3A_633 = arith.select %eq3A_631, %jit3A_632, %jit3A_629 : i32
      %rem3A_634 = arith.remsi %scan3A_88, %select_n3A_633 : i32
      %ne3A_635 = arith.constant 0 : i32
      %ne3A_636 = arith.cmpi ne, %rem3A_634, %ne3A_635 : i32
      %lt3A = arith.constant 0 : i32
      %lt3A_637 = arith.cmpi slt, %rem3A_634, %lt3A : i32
      %lt3A_638 = arith.constant 0 : i32
      %lt3A_639 = arith.cmpi slt, %select_n3A_633, %lt3A_638 : i32
      %ne3A_640 = arith.xori %lt3A_637, %lt3A_639 : i1
      %and3A_641 = arith.andi %ne3A_640, %ne3A_636 : i1
      %add3A_642 = arith.addi %rem3A_634, %select_n3A_633 : i32
      %select_n3A_643 = arith.select %and3A_641, %add3A_642, %rem3A_634 : i32
      %mul3A_644 = arith.constant 16 : i32
      %mul3A_645 = arith.muli %select_n3A_643, %mul3A_644 : i32
      %swap3A = arith.index_cast %select_n3A_628 : i32 to index
      %swap3A_646 = arith.index_cast %mul3A_645 : i32 to index
      %swap3A_647 = tpu.vector_load %arg8[%swap3A, %swap3A_646] {strides = array<i32>} : memref<2x128xf32, #tpu.memory_space<vmem>>, vector<16xf32>,
      tpu.vector_store %arg8[%swap3A, %swap3A_646], %max3A_609 {strides = array<i32>} : memref<2x128xf32, #tpu.memory_space<vmem>>, vector<16xf32>,
      %scan3A_648 = arith.constant 0 : i32
      scf.yield %scan3A_648 : i32
    }
    %scan3A_87 = arith.constant 16 : i32
    "tpu.region"() ({
      %run_scoped3A = tpu.sem_alloc : memref<!tpu.dma_semaphore, #tpu.memory_space<semaphore_mem>>
      %dma_start3A_88 = arith.constant 0 : i32
      %dma_start3A_89 = arith.constant 0 : i32
      %dma_start3A_90 = tpu.memref_slice %arg4[%add3A, %dma_start3A_88, %dma_start3A_89] : memref<32x2x128xf32, #tpu.memory_space<hbm>> -> memref<1x2x128xf32, #tpu.memory_space<hbm>>
      %dma_start3A_91 = tpu.memref_squeeze %dma_start3A_90 : memref<1x2x128xf32, #tpu.memory_space<hbm>> -> memref<2x128xf32, #tpu.memory_space<hbm>>
      %dma_start3A_92 = arith.constant 0 : i32
      %dma_start3A_93 = arith.constant 0 : i32
      %dma_start3A_94 = tpu.memref_slice %arg4[%add3A, %dma_start3A_92, %dma_start3A_93] : memref<32x2x128xf32, #tpu.memory_space<hbm>> -> memref<1x2x128xf32, #tpu.memory_space<hbm>>
      %dma_start3A_95 = tpu.memref_squeeze %dma_start3A_94 : memref<1x2x128xf32, #tpu.memory_space<hbm>> -> memref<2x128xf32, #tpu.memory_space<hbm>>
      tpu.enqueue_dma source(%arg8 : memref<2x128xf32, #tpu.memory_space<vmem>>) target(%dma_start3A_95 : memref<2x128xf32, #tpu.memory_space<hbm>>) target_semaphore(%run_scoped3A : memref<!tpu.dma_semaphore, #tpu.memory_space<semaphore_mem>>)
      %dma_wait3A_96 = arith.constant 0 : i32
      %dma_wait3A_97 = arith.constant 0 : i32
      %dma_wait3A_98 = tpu.memref_slice %arg4[%add3A, %dma_wait3A_96, %dma_wait3A_97] : memref<32x2x128xf32, #tpu.memory_space<hbm>> -> memref<1x2x128xf32, #tpu.memory_space<hbm>>
      %dma_wait3A_99 = tpu.memref_squeeze %dma_wait3A_98 : memref<1x2x128xf32, #tpu.memory_space<hbm>> -> memref<2x128xf32, #tpu.memory_space<hbm>>
      %dma_wait3A_100 = arith.constant 0 : i32
      %dma_wait3A_101 = arith.constant 0 : i32
      %dma_wait3A_102 = tpu.memref_slice %arg4[%add3A, %dma_wait3A_100, %dma_wait3A_101] : memref<32x2x128xf32, #tpu.memory_space<hbm>> -> memref<1x2x128xf32, #tpu.memory_space<hbm>>
      %dma_wait3A_103 = tpu.memref_squeeze %dma_wait3A_102 : memref<1x2x128xf32, #tpu.memory_space<hbm>> -> memref<2x128xf32, #tpu.memory_space<hbm>>
      tpu.wait_dma2 semaphore(%run_scoped3A : memref<!tpu.dma_semaphore, #tpu.memory_space<semaphore_mem>>) src(%arg8 : memref<2x128xf32, #tpu.memory_space<vmem>>) dst(%dma_wait3A_103 : memref<2x128xf32, #tpu.memory_space<hbm>>)
      tpu.yield
    }) : () -> ()
    return
  }
}

module attributes {stable_mosaic.version = 14 : i64} {
  func.func @_tc_range_body(%arg0: i32, %arg1: memref<1x16x4096xf32, #tpu.memory_space<vmem>>, %arg2: memref<1x16x4096xf32, #tpu.memory_space<vmem>>, %arg3: memref<1x16x4096xf32, #tpu.memory_space<vmem>>, %arg4: memref<1x16x4096xf32, #tpu.memory_space<vmem>>, %arg5: memref<1x16x4096xf32, #tpu.memory_space<vmem>>, %arg6: memref<16x128xf32, #tpu.memory_space<vmem>>, %arg7: memref<1x16xf32, #tpu.memory_space<vmem>>, %arg8: memref<16x4096xf32, #tpu.memory_space<vmem>>) attributes {dimension_semantics = [#tpu.dimension_semantics<arbitrary>], iteration_bounds = array<i64: 4>, scalar_prefetch = 0 : i64, scratch_operands = 1 : i64, tpu.core_type = #tpu.core_type<tc>, window_params = [{transform_indices = @transform_0, window_bounds = array<i64: 1, 16, 4096>}, {transform_indices = @transform_1, window_bounds = array<i64: 1, 16, 4096>}, {transform_indices = @transform_2, window_bounds = array<i64: 1, 16, 4096>}, {transform_indices = @transform_3, window_bounds = array<i64: 1, 16, 4096>}, {transform_indices = @transform_4, window_bounds = array<i64: 1, 16, 4096>}, {pipeline_mode = #tpu.pipeline_mode<synchronous>, transform_indices = @transform_5, window_bounds = array<i64: 16, 128>}, {pipeline_mode = #tpu.pipeline_mode<synchronous>, transform_indices = @transform_6, window_bounds = array<i64: 1, 16>}]} {
    %eq3A = arith.constant 0 : i32
    %eq3A_0 = arith.cmpi eq, %arg0, %eq3A : i32
    %convert_element_type3A = arith.extui %eq3A_0 : i1 to i32
    %cond3A = arith.constant 0 : i32
    %cond3A_1 = arith.cmpi ne, %convert_element_type3A, %cond3A : i32
    scf.if %cond3A_1 {
      %broadcast_in_dim3A_89 = arith.constant -1.000000e+09 : f32
      %broadcast_in_dim3A_90 = vector.broadcast %broadcast_in_dim3A_89 : f32 to vector<16x4096xf32>
      %swap3A_91 = arith.constant 0 : index
      %swap3A_92 = arith.constant 0 : index
      %swap3A_93 = vector.load %arg8[%swap3A_91, %swap3A_92] : memref<16x4096xf32, #tpu.memory_space<vmem>>, vector<16x4096xf32>
      tpu.vector_store %arg8[%swap3A_91, %swap3A_92], %broadcast_in_dim3A_90 {strides = array<i32>} : memref<16x4096xf32, #tpu.memory_space<vmem>>, vector<16x4096xf32>,
    } else {
    }
    %get3A = arith.constant 0 : index
    %get3A_2 = arith.constant 0 : index
    %get3A_3 = vector.load %arg6[%get3A, %get3A_2] : memref<16x128xf32, #tpu.memory_space<vmem>>, vector<16x1xf32>
    %get3A_4 = arith.constant 0 : index
    %get3A_5 = arith.constant 1 : index
    %get3A_6 = vector.load %arg6[%get3A_4, %get3A_5] : memref<16x128xf32, #tpu.memory_space<vmem>>, vector<16x1xf32>
    %get3A_7 = arith.constant 0 : index
    %get3A_8 = arith.constant 2 : index
    %get3A_9 = vector.load %arg6[%get3A_7, %get3A_8] : memref<16x128xf32, #tpu.memory_space<vmem>>, vector<16x1xf32>
    %get3A_10 = arith.constant 0 : index
    %get3A_11 = arith.constant 3 : index
    %get3A_12 = vector.load %arg6[%get3A_10, %get3A_11] : memref<16x128xf32, #tpu.memory_space<vmem>>, vector<16x1xf32>
    %get3A_13 = arith.constant 0 : index
    %get3A_14 = arith.constant 0 : index
    %get3A_15 = arith.constant 0 : index
    %get3A_16 = vector.load %arg1[%get3A_13, %get3A_14, %get3A_15] : memref<1x16x4096xf32, #tpu.memory_space<vmem>>, vector<1x16x4096xf32>
    %get3A_17 = vector.shape_cast %get3A_16 : vector<1x16x4096xf32> to vector<16x4096xf32>
    %get3A_18 = arith.constant 0 : index
    %get3A_19 = arith.constant 0 : index
    %get3A_20 = arith.constant 0 : index
    %get3A_21 = vector.load %arg2[%get3A_18, %get3A_19, %get3A_20] : memref<1x16x4096xf32, #tpu.memory_space<vmem>>, vector<1x16x4096xf32>
    %get3A_22 = vector.shape_cast %get3A_21 : vector<1x16x4096xf32> to vector<16x4096xf32>
    %get3A_23 = arith.constant 0 : index
    %get3A_24 = arith.constant 0 : index
    %get3A_25 = arith.constant 0 : index
    %get3A_26 = vector.load %arg3[%get3A_23, %get3A_24, %get3A_25] : memref<1x16x4096xf32, #tpu.memory_space<vmem>>, vector<1x16x4096xf32>
    %get3A_27 = vector.shape_cast %get3A_26 : vector<1x16x4096xf32> to vector<16x4096xf32>
    %get3A_28 = arith.constant 0 : index
    %get3A_29 = arith.constant 0 : index
    %get3A_30 = arith.constant 0 : index
    %get3A_31 = vector.load %arg4[%get3A_28, %get3A_29, %get3A_30] : memref<1x16x4096xf32, #tpu.memory_space<vmem>>, vector<1x16x4096xf32>
    %get3A_32 = vector.shape_cast %get3A_31 : vector<1x16x4096xf32> to vector<16x4096xf32>
    %get3A_33 = arith.constant 0 : index
    %get3A_34 = arith.constant 0 : index
    %get3A_35 = arith.constant 0 : index
    %get3A_36 = vector.load %arg5[%get3A_33, %get3A_34, %get3A_35] : memref<1x16x4096xf32, #tpu.memory_space<vmem>>, vector<1x16x4096xf32>
    %get3A_37 = vector.shape_cast %get3A_36 : vector<1x16x4096xf32> to vector<16x4096xf32>
    %mul3A = arith.constant 5.000000e-01 : f32
    %mul3A_38 = vector.broadcast %mul3A : f32 to vector<16x4096xf32>
    %mul3A_39 = arith.mulf %get3A_27, %mul3A_38 : vector<16x4096xf32>
    %mul3A_40 = arith.constant 5.000000e-01 : f32
    %mul3A_41 = vector.broadcast %mul3A_40 : f32 to vector<16x4096xf32>
    %mul3A_42 = arith.mulf %get3A_32, %mul3A_41 : vector<16x4096xf32>
    %sub3A = arith.subf %get3A_17, %mul3A_39 : vector<16x4096xf32>
    %max3A = vector.broadcast %get3A_3 : vector<16x1xf32> to vector<16x4096xf32>
    %max3A_43 = arith.maximumf %sub3A, %max3A : vector<16x4096xf32>
    %sub3A_44 = arith.subf %get3A_22, %mul3A_42 : vector<16x4096xf32>
    %max3A_45 = vector.broadcast %get3A_6 : vector<16x1xf32> to vector<16x4096xf32>
    %max3A_46 = arith.maximumf %sub3A_44, %max3A_45 : vector<16x4096xf32>
    %add3A = arith.addf %get3A_17, %mul3A_39 : vector<16x4096xf32>
    %min3A = vector.broadcast %get3A_9 : vector<16x1xf32> to vector<16x4096xf32>
    %min3A_47 = arith.minimumf %add3A, %min3A : vector<16x4096xf32>
    %add3A_48 = arith.addf %get3A_22, %mul3A_42 : vector<16x4096xf32>
    %min3A_49 = vector.broadcast %get3A_12 : vector<16x1xf32> to vector<16x4096xf32>
    %min3A_50 = arith.minimumf %add3A_48, %min3A_49 : vector<16x4096xf32>
    %sub3A_51 = arith.subf %min3A_47, %max3A_43 : vector<16x4096xf32>
    %max3A_52 = arith.constant 0.000000e+00 : f32
    %max3A_53 = vector.broadcast %max3A_52 : f32 to vector<16x4096xf32>
    %max3A_54 = arith.maximumf %sub3A_51, %max3A_53 : vector<16x4096xf32>
    %sub3A_55 = arith.subf %min3A_50, %max3A_46 : vector<16x4096xf32>
    %max3A_56 = arith.constant 0.000000e+00 : f32
    %max3A_57 = vector.broadcast %max3A_56 : f32 to vector<16x4096xf32>
    %max3A_58 = arith.maximumf %sub3A_55, %max3A_57 : vector<16x4096xf32>
    %mul3A_59 = arith.mulf %max3A_54, %max3A_58 : vector<16x4096xf32>
    %sub3A_60 = arith.subf %get3A_9, %get3A_3 : vector<16x1xf32>
    %sub3A_61 = arith.subf %get3A_12, %get3A_6 : vector<16x1xf32>
    %mul3A_62 = arith.mulf %sub3A_60, %sub3A_61 : vector<16x1xf32>
    %mul3A_63 = arith.mulf %get3A_27, %get3A_32 : vector<16x4096xf32>
    %add3A_64 = vector.broadcast %mul3A_62 : vector<16x1xf32> to vector<16x4096xf32>
    %add3A_65 = arith.addf %mul3A_63, %add3A_64 : vector<16x4096xf32>
    %sub3A_66 = arith.subf %add3A_65, %mul3A_59 : vector<16x4096xf32>
    %div3A = arith.divf %mul3A_59, %sub3A_66 : vector<16x4096xf32>
    %mul3A_67 = arith.constant 4096 : i32
    %mul3A_68 = arith.muli %arg0, %mul3A_67 : i32
    %add3A_69 = arith.constant 4096 : i32
    %add3A_70 = arith.addi %add3A_69, %mul3A_68 : i32
    %iota3A = tpu.iota {dimensions = array<i32: 1>} : vector<16x4096xi32>
    %add3A_71 = vector.broadcast %add3A_70 : i32 to vector<16x4096xi32>
    %add3A_72 = arith.addi %add3A_71, %iota3A : vector<16x4096xi32>
    %eq3A_73 = arith.constant 0.000000e+00 : f32
    %eq3A_74 = vector.broadcast %eq3A_73 : f32 to vector<16x4096xf32>
    %eq3A_75 = arith.cmpf oeq, %get3A_37, %eq3A_74 : vector<16x4096xf32>
    %lt3A = arith.constant 20000 : i32
    %lt3A_76 = vector.broadcast %lt3A : i32 to vector<16x4096xi32>
    %lt3A_77 = arith.cmpi slt, %add3A_72, %lt3A_76 : vector<16x4096xi32>
    %and3A = arith.andi %eq3A_75, %lt3A_77 : vector<16x4096xi1>
    %get3A_78 = arith.constant 0 : index
    %get3A_79 = arith.constant 0 : index
    %get3A_80 = vector.load %arg8[%get3A_78, %get3A_79] : memref<16x4096xf32, #tpu.memory_space<vmem>>, vector<16x4096xf32>
    %jit3A = arith.constant -1.000000e+09 : f32
    %broadcast_in_dim3A = vector.broadcast %jit3A : f32 to vector<16x4096xf32>
    %select_n3A = arith.select %and3A, %div3A, %broadcast_in_dim3A : vector<16x4096xi1>, vector<16x4096xf32>
    %max3A_81 = arith.maximumf %get3A_80, %select_n3A : vector<16x4096xf32>
    %swap3A = arith.constant 0 : index
    %swap3A_82 = arith.constant 0 : index
    %swap3A_83 = vector.load %arg8[%swap3A, %swap3A_82] : memref<16x4096xf32, #tpu.memory_space<vmem>>, vector<16x4096xf32>
    tpu.vector_store %arg8[%swap3A, %swap3A_82], %max3A_81 {strides = array<i32>} : memref<16x4096xf32, #tpu.memory_space<vmem>>, vector<16x4096xf32>,
    %eq3A_84 = arith.constant 3 : i32
    %eq3A_85 = arith.cmpi eq, %arg0, %eq3A_84 : i32
    %convert_element_type3A_86 = arith.extui %eq3A_85 : i1 to i32
    %cond3A_87 = arith.constant 0 : i32
    %cond3A_88 = arith.cmpi ne, %convert_element_type3A_86, %cond3A_87 : i32
    scf.if %cond3A_88 {
      %get3A_89 = arith.constant 0 : index
      %get3A_90 = arith.constant 0 : index
      %get3A_91 = vector.load %arg8[%get3A_89, %get3A_90] : memref<16x4096xf32, #tpu.memory_space<vmem>>, vector<16x4096xf32>
      %reduce_max3A = arith.constant dense<0xFF800000> : vector<16xf32>
      %reduce_max3A_92 = vector.multi_reduction <maximumf>, %get3A_91, %reduce_max3A [1] : vector<16x4096xf32> to vector<16xf32>
      %reshape3A = vector.shape_cast %reduce_max3A_92 : vector<16xf32> to vector<1x16xf32>
      %swap3A_93 = arith.constant 0 : index
      %swap3A_94 = arith.constant 0 : index
      %swap3A_95 = vector.load %arg7[%swap3A_93, %swap3A_94] : memref<1x16xf32, #tpu.memory_space<vmem>>, vector<1x16xf32>
      tpu.vector_store %arg7[%swap3A_93, %swap3A_94], %reshape3A {strides = array<i32>} : memref<1x16xf32, #tpu.memory_space<vmem>>, vector<1x16xf32>,
    } else {
    }
    return
  }
  func.func @transform_0(%arg0: i32) -> (i32, i32, i32) {
    %add3A = arith.constant 1 : i32
    %add3A_0 = arith.addi %arg0, %add3A : i32
    %c0_i32 = arith.constant 0 : i32
    %c0_i32_1 = arith.constant 0 : i32
    %c0_i32_2 = arith.constant 0 : i32
    return %c0_i32, %c0_i32_1, %add3A_0 : i32, i32, i32
  }
  func.func @transform_1(%arg0: i32) -> (i32, i32, i32) {
    %add3A = arith.constant 1 : i32
    %add3A_0 = arith.addi %arg0, %add3A : i32
    %c1_i32 = arith.constant 1 : i32
    %c0_i32 = arith.constant 0 : i32
    %c0_i32_1 = arith.constant 0 : i32
    return %c1_i32, %c0_i32, %add3A_0 : i32, i32, i32
  }
  func.func @transform_2(%arg0: i32) -> (i32, i32, i32) {
    %add3A = arith.constant 1 : i32
    %add3A_0 = arith.addi %arg0, %add3A : i32
    %c2_i32 = arith.constant 2 : i32
    %c0_i32 = arith.constant 0 : i32
    %c0_i32_1 = arith.constant 0 : i32
    return %c2_i32, %c0_i32, %add3A_0 : i32, i32, i32
  }
  func.func @transform_3(%arg0: i32) -> (i32, i32, i32) {
    %add3A = arith.constant 1 : i32
    %add3A_0 = arith.addi %arg0, %add3A : i32
    %c3_i32 = arith.constant 3 : i32
    %c0_i32 = arith.constant 0 : i32
    %c0_i32_1 = arith.constant 0 : i32
    return %c3_i32, %c0_i32, %add3A_0 : i32, i32, i32
  }
  func.func @transform_4(%arg0: i32) -> (i32, i32, i32) {
    %add3A = arith.constant 1 : i32
    %add3A_0 = arith.addi %arg0, %add3A : i32
    %c6_i32 = arith.constant 6 : i32
    %c0_i32 = arith.constant 0 : i32
    %c0_i32_1 = arith.constant 0 : i32
    return %c6_i32, %c0_i32, %add3A_0 : i32, i32, i32
  }
  func.func @transform_5(%arg0: i32) -> (i32, i32) {
    %c0_i32 = arith.constant 0 : i32
    %c0_i32_0 = arith.constant 0 : i32
    %c0_i32_1 = arith.constant 0 : i32
    return %c0_i32, %c0_i32_0 : i32, i32
  }
  func.func @transform_6(%arg0: i32) -> (i32, i32) {
    %c0_i32 = arith.constant 0 : i32
    %c0_i32_0 = arith.constant 0 : i32
    %c0_i32_1 = arith.constant 0 : i32
    return %c0_i32, %c0_i32_0 : i32, i32
  }
}

module attributes {stable_mosaic.version = 14 : i64} {
  func.func @_tc_finish_body(%arg0: memref<32x2x128xf32, #tpu.memory_space<vmem>>, %arg1: memref<1x16xf32, #tpu.memory_space<vmem>>, %arg2: memref<1x16xf32, #tpu.memory_space<vmem>>, %arg3: memref<1x1xf32, #tpu.memory_space<vmem>>) attributes {dimension_semantics = [], scalar_prefetch = 0 : i64, scratch_operands = 0 : i64, tpu.core_type = #tpu.core_type<tc>} {
    %get3A = arith.constant 0 : index
    %get3A_0 = arith.constant 0 : index
    %get3A_1 = arith.constant 0 : index
    %get3A_2 = vector.load %arg0[%get3A, %get3A_0, %get3A_1] : memref<32x2x128xf32, #tpu.memory_space<vmem>>, vector<32x2x128xf32>
    %reduce_max3A = arith.constant dense<0xFF800000> : vector<2x128xf32>
    %reduce_max3A_3 = vector.multi_reduction <maximumf>, %get3A_2, %reduce_max3A [0] : vector<32x2x128xf32> to vector<2x128xf32>
    %reshape3A = vector.shape_cast %reduce_max3A_3 : vector<2x128xf32> to vector<2x8x16xf32>
    %reduce_max3A_4 = arith.constant dense<0xFF800000> : vector<2x8xf32>
    %reduce_max3A_5 = vector.multi_reduction <maximumf>, %reshape3A, %reduce_max3A_4 [2] : vector<2x8x16xf32> to vector<2x8xf32>
    %reshape3A_6 = vector.shape_cast %reduce_max3A_5 : vector<2x8xf32> to vector<16xf32>
    %get3A_7 = arith.constant 0 : index
    %get3A_8 = arith.constant 0 : index
    %get3A_9 = vector.load %arg1[%get3A_7, %get3A_8] : memref<1x16xf32, #tpu.memory_space<vmem>>, vector<1x16xf32>
    %get3A_10 = vector.shape_cast %get3A_9 : vector<1x16xf32> to vector<16xf32>
    %max3A = arith.maximumf %reshape3A_6, %get3A_10 : vector<16xf32>
    %ge3A = arith.constant 2.000000e-01 : f32
    %ge3A_11 = vector.broadcast %ge3A : f32 to vector<16xf32>
    %ge3A_12 = arith.cmpf oge, %max3A, %ge3A_11 : vector<16xf32>
    %jit3A = arith.constant 0.000000e+00 : f32
    %broadcast_in_dim3A = vector.broadcast %jit3A : f32 to vector<16xf32>
    %select_n3A = arith.select %ge3A_12, %max3A, %broadcast_in_dim3A : vector<16xi1>, vector<16xf32>
    %reshape3A_13 = vector.shape_cast %select_n3A : vector<16xf32> to vector<1x16xf32>
    %swap3A = arith.constant 0 : index
    %swap3A_14 = arith.constant 0 : index
    %swap3A_15 = vector.load %arg2[%swap3A, %swap3A_14] : memref<1x16xf32, #tpu.memory_space<vmem>>, vector<1x16xf32>
    tpu.vector_store %arg2[%swap3A, %swap3A_14], %reshape3A_13 {strides = array<i32>} : memref<1x16xf32, #tpu.memory_space<vmem>>, vector<1x16xf32>,
    %reduce_sum3A = vector.shape_cast %select_n3A : vector<16xf32> to vector<1x16xf32>
    %reduce_sum3A_16 = arith.constant dense<0.000000e+00> : vector<1xf32>
    %reduce_sum3A_17 = vector.multi_reduction <add>, %reduce_sum3A, %reduce_sum3A_16 [1] : vector<1x16xf32> to vector<1xf32>
    %reduce_sum3A_18 = vector.shape_cast %reduce_sum3A_17 : vector<1xf32> to vector<1x1xf32>
    %reduce_sum3A_19 = vector.extract %reduce_sum3A_18[0, 0] : f32 from vector<1x1xf32>
    %reshape3A_20 = vector.broadcast %reduce_sum3A_19 : f32 to vector<1x1xf32>
    %mul3A = arith.constant 6.250000e-02 : f32
    %mul3A_21 = vector.broadcast %mul3A : f32 to vector<1x1xf32>
    %mul3A_22 = arith.mulf %reshape3A_20, %mul3A_21 : vector<1x1xf32>
    %swap3A_23 = arith.constant 0 : index
    %swap3A_24 = arith.constant 0 : index
    %swap3A_25 = vector.load %arg3[%swap3A_23, %swap3A_24] : memref<1x1xf32, #tpu.memory_space<vmem>>, vector<1x1xf32>
    tpu.vector_store %arg3[%swap3A_23, %swap3A_24], %mul3A_22 {strides = array<i32>} : memref<1x1xf32, #tpu.memory_space<vmem>>, vector<1x1xf32>,
    return
  }
}

</mosaic_0001>

<sc_bundles>
// kernel: kernel.5.cloned.1.call-start
scs
__scs_entry_jumppad:
0x0: {  	(pc) =	sbr.rel $0x88, $3  }
0x1: {  	(tag) =	ssettag $0x0;
	lr =	simm.s32 $0x1  }
0x2: {  	[smem:$0x3F9F] =	sst lr;
	_ =	strace $0xD0000000  }
0x3: {  	_ = 	snop  }
0x4: {  	_ = 	snop  }
0x5: {  	_ = 	snop  }
0x6: {  	_ = 	snop  }
0x7: {  	_ = 	snop  }
__scs_overlays_trampoline_lowered:
0x8: {  	[smem:$0x3FAE] =	sst s0  }
0x9: {  	[smem:$0x3FAF] =	sst s1  }
0xa: {  	[smem:$0x3FB0] =	sst s2  }
0xb: {  	[smem:$0x3FB1] =	sst s3  }
0xc: {  	[smem:$0x3FB2] =	sst s4  }
0xd: {  	[smem:$0x3FB3] =	sst s5  }
0xe: {  	[smem:$0x3FB4] =	sst s6  }
0xf: {  	[smem:$0x3FB5] =	sst s7  }
0x10: {  	[smem:$0x3FB6] =	sst s8  }
0x11: {  	[smem:$0x3FB7] =	sst s9;
	s0 =	simm.s32 @!p0 $0x0  }
0x12: {  	s1 =	sld [smem:$0x3F9D];
	s0 =	simm.s32 @p0 $0x1  }
0x13: {  	[smem:$0x3FB8] =	sst s0;
	s0 =	simm.s32 @!p1 $0x0  }
0x14: {  	s2 =	sld [smem:$0x3F9C];
	s0 =	simm.s32 @p1 $0x1  }
0x15: {  	[smem:$0x3FB9] =	sst s0;
	s0 =	simm.s32 @!p2 $0x0  }
0x16: {  	s3 =	sld [smem:$0x3FDB];
	s0 =	simm.s32 @p2 $0x1  }
0x17: {  	s4 =	simm.s32 $0x1BF5;
	[smem:$0x3FBB] =	sst s0  }
0x18: {  	s0 =	sld [smem:$0x3F9E];
	_ =	swait.ge [sflag:s4], $0x0  }
0x19: {  	s7 =	sld [smem:$0x3F9F]  }
0x1a: {  	s8 =	sadd.s32 $0xFFFFE003, lr  }
0x1b: {  	s9 =	sadd.s32 $0xFFFFFEF7, lr;
	s5 =	simm.s32 $0xFFFFFFFF;
	p2 =	slt.u32 s8, $0xFFFFF086  }
0x1c: {  	p1 =	slt.u32 s9, $0xF7A;
	s5 =	simm.s32 @!p2 $0x0  }
0x1d: {  	s5 =	simm.s32 @p1 $0x1;
	p0 =	seq.s32 s7, s2  }
0x1e: {  	s7 =	smul.u32 @!p0 $0xF7A, s2;
	p2 =	seq.s32 @!p0 s5, $0x0  }
0x1f: {  	s9 =	smul.u32 $0xF7A, s1;
	s8 =	simm.s32 @!p0 $0x1BF5;
	p2 =	por !p2, p0  }
0x20: {  	[sflag:s8] =	ssyncset.s32 @!p0 $0xFFFFF086;
	s6 =	sadd.s32 @!p0 s3, s7;
	s7 =	simm.s32 @!p0 $0x108  }
0x21: {  	s3 =	sadd.s32 s3, s9;
	s6 =	sadd.s32 @!p0 $0x88, s6;
	s7 =	simm.s32 @p2 $0x1082  }
0x22: {  	[simem:s7], [sflag:s8] =	dma.local @!p0 [hbm:s6], $0xF7A  }
0x23: {  	s9 =	sor.u32 $0xD0000000, s2;
	s6 =	simm.s32 $0x108;
	_ =	swait.ge @!p0 [sflag:s8], $0x0  }
0x24: {  	s3 =	sadd.s32 $0x88, s3;
	s6 =	simm.s32 @!p1 $0x1082;
	[sflag:s4] =	ssyncset.s32 $0xFFFFF086  }
0x25: {  	[simem:s6], [sflag:s4] =	dma.local [hbm:s3], $0xF7A  }
0x26: {  	[smem:$0x3F9F] =	sst s1;
	(tag) =	ssettag s2;
	_ =	strace s9  }
0x27: {  	s1 =	sld [smem:$0x3FAF]  }
0x28: {  	s2 =	sld [smem:$0x3FB0]  }
0x29: {  	s4 =	sld [smem:$0x3FB2]  }
0x2a: {  	p0 =	seq.s32 s5, $0x0;
	s5 =	sld [smem:$0x3FB3]  }
0x2b: {  	s6 =	sld [smem:$0x3FB4]  }
0x2c: {  	s7 =	sld [smem:$0x3FB5]  }
0x2d: {  	s3 =	simm.s32 $0x108;
	s8 =	sld [smem:$0x3FB6]  }
0x2e: {  	s3 =	simm.s32 @!p0 $0x1082;
	s9 =	sld [smem:$0x3FB7]  }
0x2f: {  	lr =	sadd.s32 s0, s3;
	s0 =	sld [smem:$0x3FAE]  }
0x30: {  	s3 =	sld [smem:$0x3FB1]  }
0x31: {  	[smem:$0x3FBA] =	sst s10  }
0x32: {  	s10 =	sld [smem:$0x3FB8];
	_ =	sdelay $0x3  }
0x33: {  	p0 =	seq.s32 s10, $0x1;
	s10 =	sld [smem:$0x3FBA];
	_ =	sdelay $0x3  }
0x34: {  	[smem:$0x3FBA] =	sst s10  }
0x35: {  	s10 =	sld [smem:$0x3FB9];
	_ =	sdelay $0x3  }
0x36: {  	p1 =	seq.s32 s10, $0x1;
	s10 =	sld [smem:$0x3FBA];
	_ =	sdelay $0x3  }
0x37: {  	[smem:$0x3FBA] =	sst s10  }
0x38: {  	s10 =	sld [smem:$0x3FBB]  }
0x39: {  	_ = 	snop;
	(pc) =	sbr.ind lr, $3  }
0x3a: {  	_ = 	snop  }
0x3b: {  	_ = 	snop  }
0x3c: {  	p2 =	seq.s32 s10, $0x1;
	s10 =	sld [smem:$0x3FBA]  }
0x3d: {  	_ =	shalt  }
0x3e: {  	_ =	shalt  }
0x3f: {  	_ =	shalt  }
0x40: {  	_ =	shalt  }
0x41: {  	_ =	shalt  }
0x42: {  	_ =	shalt  }
0x43: {  	_ =	shalt  }
0x44: {  	_ =	shalt  }
0x45: {  	_ =	shalt  }
0x46: {  	_ =	shalt  }
0x47: {  	_ =	shalt  }
0x48: {  	_ =	shalt  }
0x49: {  	_ =	shalt  }
0x4a: {  	_ =	shalt  }
0x4b: {  	_ =	shalt  }
0x4c: {  	_ =	shalt  }
0x4d: {  	_ =	shalt  }
0x4e: {  	_ =	shalt  }
0x4f: {  	_ =	shalt  }
0x50: {  	_ =	shalt  }
0x51: {  	_ =	shalt  }
0x52: {  	_ =	shalt  }
0x53: {  	_ =	shalt  }
0x54: {  	_ =	shalt  }
0x55: {  	_ =	shalt  }
0x56: {  	_ =	shalt  }
0x57: {  	_ =	shalt  }
0x58: {  	_ =	shalt  }
0x59: {  	_ =	shalt  }
0x5a: {  	_ =	shalt  }
0x5b: {  	_ =	shalt  }
0x5c: {  	_ =	shalt  }
0x5d: {  	_ =	shalt  }
0x5e: {  	_ =	shalt  }
0x5f: {  	_ =	shalt  }
0x60: {  	_ =	shalt  }
0x61: {  	_ =	shalt  }
0x62: {  	_ =	shalt  }
0x63: {  	_ =	shalt  }
0x64: {  	_ =	shalt  }
0x65: {  	_ =	shalt  }
0x66: {  	_ =	shalt  }
0x67: {  	_ =	shalt  }
0x68: {  	_ =	shalt  }
0x69: {  	_ =	shalt  }
0x6a: {  	_ =	shalt  }
0x6b: {  	_ =	shalt  }
0x6c: {  	_ =	shalt  }
0x6d: {  	_ =	shalt  }
0x6e: {  	_ =	shalt  }
0x6f: {  	_ =	shalt  }
0x70: {  	_ =	shalt  }
0x71: {  	_ =	shalt  }
0x72: {  	_ =	shalt  }
0x73: {  	_ =	shalt  }
0x74: {  	_ =	shalt  }
0x75: {  	_ =	shalt  }
0x76: {  	_ =	shalt  }
0x77: {  	_ =	shalt  }
0x78: {  	_ =	shalt  }
0x79: {  	_ =	shalt  }
0x7a: {  	_ =	shalt  }
0x7b: {  	_ =	shalt  }
0x7c: {  	_ =	shalt  }
0x7d: {  	_ =	shalt  }
0x7e: {  	_ =	shalt  }
0x7f: {  	_ =	shalt  }
0x80: {  	_ =	shalt  }
0x81: {  	_ =	shalt  }
0x82: {  	_ =	shalt  }
0x83: {  	_ =	shalt  }
0x84: {  	_ =	shalt  }
0x85: {  	_ =	shalt  }
0x86: {  	_ =	shalt  }
0x87: {  	_ =	shalt  }
.Lfunc_end0:
.L_simem_size_0:
called_computation_lowered:
.L_overlay_start_0:
0x88: {  	s2 =	sld [smem:$0x3FD9]  }
0x89: {  	s3 =	sld [smem:$0x3FFE];
	_ =	sdelay $0x1  }
0x8a: {  	s1 =	srdreg.scid  }
0x8b: {  	s0 =	sand.u32 $0x1, s1  }
0x8c: {  	s17 =	sshll.u32 s0, $0xA;
	s2 =	sadd.s32 s3, s2  }
0x8d: {  	s2 =	sadd.s32 s2, s17  }
0x8e: {  	[smem:$0x3FC6] =	sst s2  }
0x8f: {  	_ = 	snop  }
0x90: {  	s2 =	sld [smem:$0x3FC9];
	(tm) =	ssettm $0x1  }
0x91: {  	s18 =	sld [smem:$0x3FFB];
	_ =	sdelay $0x3  }
0x92: {  	_ =	strace s18  }
0x93: {  	s3 =	sld [smem:$0x3FFC];
	_ =	sdelay $0x3  }
0x94: {  	_ =	strace s3  }
0x95: {  	s3 =	sld [smem:$0x3FFD];
	_ =	sdelay $0x3  }
0x96: {  	_ =	strace s3  }
0x97: {  	_ =	strace $0x8FFFFFFF  }
0x98: {  	s19 =	sld [smem:$0x3FDB];
	_ =	sdelay $0x1  }
0x99: {  	s4 =	simm.s32 $_scs_section_size  }
0x9a: {  	s5 =	simm.s32 $_size__tile_overlayer_lowered;
	s6 =	simm.s32 $_tile_overlayer_lowered  }
0x9b: {  	s22 =	simm.s32 $0x1BFF;
	s21 =	sshll.u32 s6, $0x1;
	s3 =	sadd.s32 s4, s19  }
0x9c: {  	s7 =	simm.s32 $0x0;
	s20 =	sshll.u32 s5, $0x1;
	s5 =	sadd.s32 s21, s3  }
0x9d: {  	[timem:s7], [sflag:s22] =	dma.local [hbm:s5], s20  }
0x9e: {  	_ =	swait.ge [sflag:s22], s20  }
0x9f: {  	s4 =	ssub.s32 $0x0, s20;
	[sflag:s22] =	ssyncset.done $0x0  }
0xa0: {  	[sflag:s22] =	ssyncadd.s32 s4;
	_ =	sdelay $0x1  }
0xa1: {  	s23 =	simm.s32 $0x1B8B  }
0xa2: {  	_ =	swait.ge [sflag:s23], $0x1  }
0xa3: {  	[sflag:s23] =	ssyncset.done $0x0  }
0xa4: {  	s25 =	simm.s32 $0x1B8E;
	s24 =	sld [smem:$0x3FFE];
	[sflag:s23] =	ssyncadd.s32 $0xFFFFFFFF  }
0xa5: {  	s26 =	simm.s32 $execute0_lowered;
	[smem:$0x3FD2] =	sst s25  }
0xa6: {  	s5 =	sshll.u32 s26, $0x1;
	_ =	strace $0x80000046;
	[dreg:$0x1] =	wrdreg $0xFFFFFFFF  }
0xa7: {  	s28 =	simm.s32 $_size_execute0_lowered;
	s3 =	sadd.s32 s3, s5;
	[dreg:$0x0] =	wrdreg $0x0  }
0xa8: {  	s5 =	sshll.u32 s28, $0x1;
	[dreg:$0x2] =	wrdreg s3  }
0xa9: {  	[dreg:$0x3] =	wrdreg s5  }
0xaa: {  	[dreg:$0x4] =	wrdreg $0xC0  }
0xab: {  	_ =	task [dreg:s7], $0x5FFFF  }
0xac: {  	[dreg:$0x1] =	wrdreg $0xFFFFFFFF  }
0xad: {  	[dreg:$0x0] =	wrdreg $0x60  }
0xae: {  	[dreg:$0x2] =	wrdreg s2  }
0xaf: {  	[dreg:$0x3] =	wrdreg s24  }
0xb0: {  	[dreg:$0x4] =	wrdreg $0x9  }
0xb1: {  	_ =	task.clear_ibuf [dreg:s7], $0x5FFFF;
	_ =	strace $0x90000046  }
0xb2: {  	s29 =	simm.s32 $0x9;
	_ =	strace $0x80000048  }
0xb3: {  	_ =	swait.ge [sflag:s29], $0x1  }
0xb4: {  	[sflag:s29] =	ssyncadd.s32 $0xFFFFFFFF  }
0xb5: {  	_ =	strace $0x90000048  }
0xb6: {  	_ =	sfence  }
0xb7: {  	s30 =	sld [smem:$0x0];
	_ =	sdelay $0x2  }
0xb8: {  	s31 =	sshll.u32 s1, $0xD;
	s1 =	sshrl.u32 s1, $0x2  }
0xb9: {  	s3 =	sand.u32 $0x4000, s31;
	s1 =	sadd.s32 s1, s30  }
0xba: {  	s0 =	sor.u32 s3, s0;
	s1 =	sshll.u32 s1, $0x11  }
0xbb: {  	s0 =	sor.u32 s1, s0  }
0xbc: {  	s0 =	sadd.s32 $0x8F2B, s0  }
0xbd: {  	[sflag:s0] =	ssyncadd.remote.s32 $0x1  }
0xbe: {  	_ =	sfence.sel $0xFFFF  }
0xbf: {  	[dreg:$0x0] =	wrdreg $0xFFFFFFFF;
	(pc) =	sbr.abs _section_cstart, $3  }
0xc0: {  	[dreg:$0x1] =	wrdreg $0xFFFFFFFF  }
0xc1: {  	_ =	task.clear_ibuf [dreg:s7], $0x2FFFF;
	_ =	strace $0x9FFFFFFF  }
0xc2: {  	(tm) =	ssettm $0x7FFFFFFF  }
0xc3: {  	_ =	shalt  }
tec
execute0_lowered:
.L_overlay_start_1:
0x0: {  	(tag) =	ssettag $0x1  }
0x1: {  	s4 =	rddreg [dreg:$0x0]  }
0x2: {  	s5 =	rddreg [dreg:$0x1]  }
0x3: {  	s0 =	rddreg [dreg:$0x2]  }
0x4: {  	s2 =	simm.s32 $0x0;
	s3 =	srdreg.scid;
	s1 =	stileid.u32  }
0x5: {  	s9 =	simm.s32 $0x2;
	s10 =	simm.s32 $0x400;
	s11 =	simm.s32 $0x27400  }
0x6: {  	s12 =	simm.s32 $0x4000;
	s13 =	simm.s32 $0x1;
	s14 =	simm.s32 $0x5800  }
0x7: {  	s15 =	simm.s32 $0x0;
	s6 =	sand.u32 $0x1, s3;
	s7 =	sshll.u32 s1, $0x1  }
0x8: {  	[smem:$0x7FF] =	sst s2;
	s3 =	sadd.s32 $0xC00, s5;
	s7 =	sor.u32 s6, s7  }
0x9: {  	s6 =	ssub.s32 $0x2, s6;
	s8 =	sshll.u32 s7, $0x5;
	s7 =	sshll.u32 s7, $0x7  }
0xa: {  	_ =	strace $0x80000047;
	s30 =	sshrl.u32 s6, $0x1;
	s4 =	sadd.s32 s4, s7  }
0xb: {  	s8 =	sadd.s32 s8, s5;
	s31 =	ssub.s32 s6, s30;
	s5 =	sadd.s32 $0x3AE00, s4  }
0xc: {  	s6 =	sadd.s32 $0xE00, s8;
	s7 =	smax.u32 s31, $0x1;
	s8 =	simm.s32 $0x5000  }
.LBB2_1:
0xd: {  	[tilespmem:s8], [sflag:$0x2] =	stream.linear.gather [hbm4b:s3+s2], $0x800, $0x38;
	[tilespmem:$0x5900] =	vst v63  }
0xe: {  	_ =	swait.ge [sflag:s9], $0x800  }
0xf: {  	[sflag:s9] =	ssyncset.done $0x0  }
0x10: {  	[sflag:s9] =	ssyncadd.s32 $0xFFFFF800  }
0x11: {  	[tilespmem:s2], [sflag:$0x1] =	stream.strided.gather [hbm4b:s4+s10], $0x2000, s11, s10, $0x38;
	[tilespmem:$0x5900] =	vst v63  }
0x12: {  	_ = 	snop  }
0x13: {  	[tilespmem:s12], [sflag:$0x1] =	stream.strided.gather [hbm4b:s5+s10], $0x800, s11, s10, $0x38;
	[tilespmem:$0x5900] =	vst v63  }
0x14: {  	_ =	swait.ge [sflag:s13], $0x2000  }
0x15: {  	[sflag:s13] =	ssyncset.done $0x0  }
0x16: {  	[sflag:s13] =	ssyncadd.s32 $0xFFFFE000  }
0x17: {  	_ =	swait.ge [sflag:s13], $0x800  }
0x18: {  	[sflag:s13] =	ssyncset.done $0x0  }
0x19: {  	s16 =	simm.s32 $0x1000;
	[sflag:s13] =	ssyncadd.s32 $0xFFFFF800  }
0x1a: {  	v0 =	vld [tilespmem:s16+$0xFFFFF070]  }
0x1b: {  	v1 =	vld [tilespmem:s16+$0xFFFFF870]  }
0x1c: {  	v2 =	vld [tilespmem:s16+$0xFFFFF060]  }
0x1d: {  	s17 =	simm.s32 $0x0;
	v3 =	vld [tilespmem:s16+$0xFFFFF860]  }
0x1e: {  	v17 =	vmov s17;
	v4 =	vld [tilespmem:s16+$0xFFFFF050]  }
0x1f: {  	v22 =	vor.u32 $0x2, v17;
	v8 =	vld [tilespmem:s16+$0x70]  }
0x20: {  	v9 =	vld [tilespmem:s16+$0x870]  }
0x21: {  	v12 =	vld [tilespmem:s16+$0x60]  }
0x22: {  	v13 =	vld [tilespmem:s16+$0x860]  }
0x23: {  	v19 =	vor.u32 $0x1, v17;
	v23 =	vor.u32 $0x3, v17;
	v17 =	vld.idx.msk [tilespmem:v17+s8+$0x0], $0xffff  }
0x24: {  	v22 =	vld.idx.msk [tilespmem:v22+s8+$0x0], $0xffff  }
0x25: {  	v5 =	vld [tilespmem:s16+$0xFFFFF850]  }
0x26: {  	v16 =	vld [tilespmem:s16+$0x50]  }
0x27: {  	v6 =	vld [tilespmem:s16+$0xFFFFF040]  }
0x28: {  	v18 =	vld [tilespmem:s16+$0x850];
	v20 =	vmul.f32 $5.000000000e-01, v8;
	v24 =	vmul.f32 $5.000000000e-01, v9  }
0x29: {  	v25 =	vld [tilespmem:s16+$0x40];
	v26 =	vmul.f32 $5.000000000e-01, v12;
	v28 =	vmul.f32 $5.000000000e-01, v13;
	v59 =	vsub.f32 v22, v17  }
0x2a: {  	v50 =	vld [tilespmem:s16+$0x10];
	v8 =	vmul.f32 v9, v8;
	v27 =	vsub.f32 v0, v20;
	v0 =	vadd.f32 v20, v0  }
0x2b: {  	v21 =	vld [tilespmem:s16+$0xFFFFF010];
	v30 =	vmul.f32 $5.000000000e-01, v16;
	v29 =	vsub.f32 v1, v24;
	v31 =	vsub.f32 v2, v26  }
0x2c: {  	v51 =	vld [tilespmem:s16+$0x810];
	v12 =	vmul.f32 v13, v12;
	v1 =	vadd.f32 v24, v1;
	v2 =	vadd.f32 v26, v2  }
0x2d: {  	v19 =	vld.idx.msk [tilespmem:v19+s8+$0x0], $0xffff;
	v32 =	vmul.f32 $5.000000000e-01, v18;
	v26 =	vsub.f32 v3, v28;
	v33 =	vsub.f32 v4, v30  }
0x2e: {  	v23 =	vld.idx.msk [tilespmem:v23+s8+$0x0], $0xffff;
	v34 =	vmul.f32 $5.000000000e-01, v25;
	v3 =	vadd.f32 v28, v3;
	v4 =	vadd.f32 v30, v4  }
0x2f: {  	v9 =	vld [tilespmem:s16+$0x30];
	v44 =	vmul.f32 $5.000000000e-01, v50;
	v35 =	vsub.f32 v5, v32;
	v5 =	vadd.f32 v32, v5  }
0x30: {  	v13 =	vld [tilespmem:s16+$0x20];
	v16 =	vmul.f32 v18, v16;
	v37 =	vsub.f32 v6, v34;
	v6 =	vadd.f32 v34, v6  }
0x31: {  	v18 =	vld [tilespmem:s16+$0x820];
	v45 =	vsub.f32 v21, v44;
	v21 =	vadd.f32 v44, v21;
	v32 =	vmul.f32 v51, v50  }
0x32: {  	v31 =	vmax.f32 v31, v17;
	v27 =	vmax.f32 v27, v17;
	v37 =	vmax.f32 v37, v17  }
0x33: {  	v10 =	vld [tilespmem:s16+$0xFFFFF030];
	v4 =	vmin.f32 v4, v22;
	v2 =	vmin.f32 v2, v22;
	v0 =	vmin.f32 v0, v22  }
0x34: {  	v14 =	vld [tilespmem:s16+$0xFFFFF020];
	v6 =	vmin.f32 v6, v22;
	v21 =	vmin.f32 v21, v22;
	v26 =	vmax.f32 v26, v19  }
0x35: {  	v20 =	vld [tilespmem:s16+$0x840];
	v1 =	vmin.f32 v1, v23;
	v5 =	vmin.f32 v5, v23;
	v36 =	vmul.f32 $5.000000000e-01, v9  }
0x36: {  	v24 =	vld [tilespmem:s16+$0x830];
	v3 =	vmin.f32 v3, v23;
	v40 =	vmul.f32 $5.000000000e-01, v13;
	v42 =	vmul.f32 $5.000000000e-01, v18  }
0x37: {  	v15 =	vld [tilespmem:s16+$0xFFFFF820];
	v13 =	vmul.f32 v18, v13;
	v0 =	vsub.f32 v0, v27;
	v2 =	vsub.f32 v2, v31  }
0x38: {  	v28 =	vld [tilespmem:s16+$0xFFFFF810];
	v6 =	vsub.f32 v6, v37;
	v27 =	vmax.f32 v35, v19;
	v31 =	vsub.f32 v23, v19  }
0x39: {  	v18 =	vmul.f32 $5.000000000e-01, v51;
	v3 =	vsub.f32 v3, v26;
	v5 =	vsub.f32 v5, v27  }
0x3a: {  	v7 =	vld [tilespmem:s16+$0xFFFFF840];
	v30 =	vmul.f32 $5.000000000e-01, v20;
	v41 =	vsub.f32 v10, v36;
	v10 =	vadd.f32 v36, v10  }
0x3b: {  	v11 =	vld [tilespmem:s16+$0xFFFFF830];
	v38 =	vmul.f32 $5.000000000e-01, v24;
	v43 =	vsub.f32 v14, v40;
	v14 =	vadd.f32 v40, v14  }
0x3c: {  	v20 =	vmul.f32 v20, v25;
	v54 =	vsub.f32 v15, v42;
	v15 =	vadd.f32 v42, v15  }
0x3d: {  	v9 =	vmul.f32 v24, v9;
	v46 =	vsub.f32 v28, v18;
	v18 =	vadd.f32 v18, v28  }
0x3e: {  	v25 =	vld [tilespmem:s16+$0x0];
	v2 =	vmax.f32 v2, $0.0e+00;
	v6 =	vmax.f32 v6, $0.0e+00;
	v3 =	vmax.f32 v3, $0.0e+00  }
0x3f: {  	v5 =	vmax.f32 v5, $0.0e+00;
	v39 =	vsub.f32 v7, v30;
	v7 =	vadd.f32 v30, v7;
	v30 =	vld [tilespmem:s16+$0x800]  }
0x40: {  	v24 =	vld [tilespmem:s16+$0xFFFFF000];
	v52 =	vsub.f32 v11, v38;
	v11 =	vadd.f32 v38, v11;
	v58 =	vmax.f32 v43, v17  }
0x41: {  	v41 =	vmax.f32 v41, v17;
	v10 =	vmin.f32 v10, v22;
	v14 =	vmin.f32 v14, v22  }
0x42: {  	v53 =	vld [tilespmem:s16+$0xFFFFF800];
	v15 =	vmin.f32 v15, v23;
	v18 =	vmin.f32 v18, v23;
	v10 =	vsub.f32 v10, v41  }
0x43: {  	v14 =	vsub.f32 v14, v58;
	v7 =	vmin.f32 v7, v23;
	v55 =	vmul.f32 $5.000000000e-01, v25  }
0x44: {  	v11 =	vmin.f32 v11, v23;
	v10 =	vmax.f32 v10, $0.0e+00;
	v56 =	vmul.f32 $5.000000000e-01, v30  }
0x45: {  	v28 =	vsub.f32 v24, v55;
	v25 =	vmul.f32 v30, v25;
	v30 =	vmax.f32 v33, v17  }
0x46: {  	v24 =	vadd.f32 v55, v24;
	v4 =	vsub.f32 v4, v30;
	v30 =	vmax.f32 v52, v19  }
0x47: {  	v57 =	vsub.f32 v53, v56;
	v38 =	vadd.f32 v56, v53;
	v28 =	vmax.f32 v28, v17  }
0x48: {  	v17 =	vmax.f32 v45, v17;
	v22 =	vmin.f32 v24, v22;
	v11 =	vsub.f32 v11, v30  }
0x49: {  	v24 =	vmax.f32 v39, v19;
	v17 =	vsub.f32 v21, v17;
	v21 =	vsub.f32 v22, v28  }
0x4a: {  	v22 =	vmax.f32 v29, v19;
	v28 =	vmax.f32 v46, v19;
	v29 =	vmax.f32 v54, v19  }
0x4b: {  	v19 =	vmax.f32 v57, v19;
	v1 =	vsub.f32 v1, v22;
	v22 =	vmul.f32 v31, v59  }
0x4c: {  	v23 =	vmin.f32 v38, v23;
	v18 =	vsub.f32 v18, v28;
	v15 =	vsub.f32 v15, v29  }
0x4d: {  	v14 =	vmax.f32 v14, $0.0e+00;
	v19 =	vsub.f32 v23, v19;
	v8 =	vadd.f32 v8, v22  }
0x4e: {  	v17 =	vmax.f32 v17, $0.0e+00;
	v16 =	vadd.f32 v16, v22;
	v12 =	vadd.f32 v12, v22  }
0x4f: {  	v21 =	vmax.f32 v21, $0.0e+00;
	v9 =	vadd.f32 v9, v22;
	v20 =	vadd.f32 v20, v22  }
0x50: {  	v23 =	vadd.f32 v32, v22;
	v13 =	vadd.f32 v13, v22;
	v19 =	vmax.f32 v19, $0.0e+00  }
0x51: {  	v22 =	vadd.f32 v25, v22;
	v18 =	vmax.f32 v18, $0.0e+00;
	v19 =	vmul.f32 v19, v21  }
0x52: {  	v7 =	vsub.f32 v7, v24;
	v15 =	vmax.f32 v15, $0.0e+00;
	v17 =	vmul.f32 v18, v17  }
0x53: {  	v11 =	vmax.f32 v11, $0.0e+00;
	v14 =	vmul.f32 v15, v14;
	v18 =	vsub.f32 v22, v19  }
0x54: {  	v10 =	vmul.f32 v11, v10;
	v7 =	vmax.f32 v7, $0.0e+00;
	v15 =	vsub.f32 v23, v17  }
0x55: {  	v6 =	vmul.f32 v7, v6;
	v11 =	vsub.f32 v13, v14;
	(erf) = vrcp.f32 v18  }
0x56: {  	v4 =	vmax.f32 v4, $0.0e+00;
	v7 =	vsub.f32 v9, v10;
	(erf) = vrcp.f32 v15  }
0x57: {  	s16 =	simm.s32 $0x4040;
	v4 =	vmul.f32 v5, v4;
	v9 =	vsub.f32 v20, v6;
	(erf) = vrcp.f32 v11  }
0x58: {  	v0 =	vmax.f32 v0, $0.0e+00;
	v2 =	vmul.f32 v3, v2;
	v3 =	vld [tilespmem:s16+$0x0];
	(erf) = vrcp.f32 v7  }
0x59: {  	v5 =	vld [tilespmem:s16+$0x20];
	v1 =	vmax.f32 v1, $0.0e+00;
	v11 =	vsub.f32 v16, v4;
	(erf) = vrcp.f32 v9  }
0x5a: {  	v0 =	vmul.f32 v1, v0;
	v1 =	vld [tilespmem:s16+$0xFFFFFFF0];
	v7 =	vsub.f32 v12, v2  }
0x5b: {  	(erf) = vrcp.f32 v11;
	v11 =	vld [tilespmem:s16+$0xFFFFFFC0]  }
0x5c: {  	v8 =	vsub.f32 v8, v0;
	(erf) = vrcp.f32 v7;
	v7 =	vld [tilespmem:s16+$0xFFFFFFD0]  }
0x5d: {  	v9 =	vld [tilespmem:s16+$0xFFFFFFE0]  }
0x5e: {  	vm0 =	veq.f32 v5, $0.0e+00;
	(erf) = vrcp.f32 v8;
	v5 =	vpop (erf)  }
0x5f: {  	vm2 =	veq.f32 v1, $0.0e+00;
	v5 =	vmul.f32 v5, v19;
	v1 =	vpop (erf)  }
0x60: {  	vm3 =	veq.f32 v3, $0.0e+00;
	v13 =	vld [tilespmem:s16+$0x10];
	v1 =	vmul.f32 v1, v17;
	v3 =	vpop (erf)  }
0x61: {  	vm4 =	veq.f32 v11, $0.0e+00;
	vm6 =	veq.f32 v7, $0.0e+00;
	v5 =	vmax.f32 v5, $-1.000000000e+09;
	v7 =	vpop (erf)  }
0x62: {  	vm5 =	veq.f32 v9, $0.0e+00;
	v5 =	vnsel vm4, $0xCE6E6B28, v5;
	v1 =	vnsel vm6, $0xCE6E6B28, v1;
	v9 =	vpop (erf)  }
0x63: {  	v3 =	vmul.f32 v3, v14;
	v1 =	vmax.f32 v5, v1;
	v5 =	vmul.f32 v9, v6  }
0x64: {  	v8 =	vld [tilespmem:s16+$0x30];
	v7 =	vmul.f32 v7, v10  }
0x65: {  	vm1 =	veq.f32 v13, $0.0e+00;
	v3 =	vnsel vm5, $0xCE6E6B28, v3;
	v6 =	vpop (erf)  }
0x66: {  	v1 =	vmax.f32 v1, v3;
	v3 =	vnsel vm2, $0xCE6E6B28, v7;
	v4 =	vmul.f32 v6, v4;
	v6 =	vpop (erf)  }
0x67: {  	v1 =	vmax.f32 v1, v3;
	v3 =	vnsel vm3, $0xCE6E6B28, v5;
	v2 =	vmul.f32 v6, v2;
	v5 =	vpop (erf)  }
0x68: {  	v1 =	vmax.f32 v1, v3;
	v3 =	vnsel vm1, $0xCE6E6B28, v4;
	v0 =	vmul.f32 v5, v0  }
0x69: {  	s30 =	sand.u32 $0x200, s2;
	vm15 =	veq.f32 v8, $0.0e+00;
	v1 =	vmax.f32 v1, v3;
	v2 =	vnsel vm0, $0xCE6E6B28, v2  }
0x6a: {  	s18 =	sand.u32 $0x70, s2;
	s17 =	sshrl.u32 s30, $0x2;
	v1 =	vmax.f32 v1, v2;
	v0 =	vnsel vm15, $0xCE6E6B28, v0  }
0x6b: {  	s17 =	sor.u32 s18, s17;
	v0 =	vmax.f32 v1, v0  }
0x6c: {  	s19 =	simm.s32 $0x1080;
	[tilespmem:s17+$0x5800] =	vst v0  }
0x6d: {  	v0 =	vld [tilespmem:s19+$0xFFFFF070]  }
0x6e: {  	v1 =	vld [tilespmem:s19+$0xFFFFF870]  }
0x6f: {  	v2 =	vld [tilespmem:s19+$0xFFFFF060]  }
0x70: {  	v3 =	vld [tilespmem:s19+$0xFFFFF860]  }
0x71: {  	v7 =	vld [tilespmem:s19+$0xFFFFF050]  }
0x72: {  	v9 =	vld [tilespmem:s19+$0xFFFFF850]  }
0x73: {  	v12 =	vld [tilespmem:s19+$0xFFFFF040]  }
0x74: {  	v13 =	vld [tilespmem:s19+$0xFFFFF840]  }
0x75: {  	v4 =	vld [tilespmem:s19+$0x70]  }
0x76: {  	v6 =	vld [tilespmem:s19+$0x870]  }
0x77: {  	v14 =	vld [tilespmem:s19+$0xFFFFF030]  }
0x78: {  	v15 =	vld [tilespmem:s19+$0xFFFFF830]  }
0x79: {  	v10 =	vld [tilespmem:s19+$0x60]  }
0x7a: {  	v11 =	vld [tilespmem:s19+$0x860]  }
0x7b: {  	v16 =	vld [tilespmem:s19+$0x50]  }
0x7c: {  	s31 =	simm.s32 $0x80;
	v60 =	vld [tilespmem:s19+$0x830]  }
0x7d: {  	v20 =	vmov s31;
	v52 =	vld [tilespmem:s19+$0x810]  }
0x7e: {  	v25 =	vor.u32 $0x1, v20;
	v18 =	vld [tilespmem:s19+$0xFFFFF020];
	v5 =	vmul.f32 $5.000000000e-01, v4  }
0x7f: {  	v23 =	vor.u32 $0x2, v20;
	v17 =	vld [tilespmem:s19+$0x850];
	v8 =	vmul.f32 $5.000000000e-01, v6;
	v24 =	vmul.f32 $5.000000000e-01, v10  }
0x80: {  	v27 =	vor.u32 $0x3, v20;
	v21 =	vld [tilespmem:s19+$0x40];
	v28 =	vmul.f32 $5.000000000e-01, v11;
	v31 =	vmul.f32 $5.000000000e-01, v16  }
0x81: {  	v26 =	vld [tilespmem:s19+$0x840];
	v53 =	vmul.f32 $5.000000000e-01, v60;
	v29 =	vsub.f32 v0, v5;
	v33 =	vadd.f32 v5, v0  }
0x82: {  	v47 =	vld.idx.msk [tilespmem:v20+s8+$0x0], $0xffff;
	v20 =	vmul.f32 $5.000000000e-01, v52;
	v5 =	vsub.f32 v1, v8;
	v32 =	vsub.f32 v2, v24  }
0x83: {  	v30 =	vld [tilespmem:s19+$0x30];
	v0 =	vmul.f32 v6, v4;
	v4 =	vadd.f32 v8, v1;
	v35 =	vadd.f32 v24, v2  }
0x84: {  	v19 =	vld [tilespmem:s19+$0xFFFFF820];
	v8 =	vsub.f32 v3, v28;
	v1 =	vmul.f32 v11, v10;
	v10 =	vmul.f32 $5.000000000e-01, v17  }
0x85: {  	v62 =	vld [tilespmem:s19+$0x10];
	v61 =	vsub.f32 v7, v31;
	v6 =	vadd.f32 v28, v3;
	v3 =	vmul.f32 $5.000000000e-01, v21  }
0x86: {  	v22 =	vld [tilespmem:s19+$0xFFFFF010];
	v37 =	vadd.f32 v31, v7;
	v2 =	vmul.f32 v17, v16;
	v17 =	vsub.f32 v15, v53  }
0x87: {  	v24 =	vld [tilespmem:s19+$0x20];
	v7 =	vmul.f32 $5.000000000e-01, v26;
	v15 =	vadd.f32 v53, v15;
	v11 =	vsub.f32 v9, v10  }
0x88: {  	v31 =	vld [tilespmem:s19+$0x820];
	v10 =	vadd.f32 v10, v9;
	v9 =	vmul.f32 $5.000000000e-01, v30;
	v63 =	vsub.f32 v12, v3  }
0x89: {  	v54 =	vld [tilespmem:s19+$0x0];
	v40 =	vadd.f32 v3, v12;
	v16 =	vsub.f32 v13, v7;
	v3 =	vmul.f32 v26, v21  }
0x8a: {  	v56 =	vld [tilespmem:s19+$0x800];
	v12 =	vadd.f32 v7, v13;
	v7 =	vmul.f32 v60, v30;
	v26 =	vmul.f32 $5.000000000e-01, v62  }
0x8b: {  	v28 =	vld [tilespmem:s19+$0xFFFFF810];
	v60 =	vmax.f32 v61, v47;
	v61 =	vmax.f32 v32, v47;
	v29 =	vmax.f32 v29, v47  }
0x8c: {  	v13 =	vld [tilespmem:s19+$0xFFFFF000];
	v55 =	vsub.f32 v14, v9;
	v57 =	vadd.f32 v9, v14;
	v21 =	vmul.f32 $5.000000000e-01, v24  }
0x8d: {  	v58 =	vld [tilespmem:s19+$0xFFFFF800];
	v48 =	vsub.f32 v22, v26;
	v49 =	vadd.f32 v26, v22;
	v14 =	vmul.f32 $5.000000000e-01, v31  }
0x8e: {  	v39 =	vmax.f32 v63, v47;
	v30 =	vsub.f32 v18, v21;
	v59 =	vadd.f32 v21, v18  }
0x8f: {  	v26 =	vld.idx.msk [tilespmem:v23+s8+$0x0], $0xffff;
	v21 =	vsub.f32 v19, v14;
	v18 =	vadd.f32 v14, v19;
	v14 =	vmul.f32 $5.000000000e-01, v54  }
0x90: {  	v9 =	vmul.f32 v31, v24;
	v23 =	vsub.f32 v28, v20;
	v19 =	vmul.f32 $5.000000000e-01, v56  }
0x91: {  	v20 =	vadd.f32 v20, v28;
	v32 =	vmax.f32 v48, v47;
	v31 =	vsub.f32 v13, v14  }
0x92: {  	v28 =	vadd.f32 v14, v13;
	v13 =	vmul.f32 v52, v62;
	v24 =	vsub.f32 v58, v19  }
0x93: {  	v19 =	vadd.f32 v19, v58;
	v14 =	vmul.f32 v56, v54;
	v30 =	vmax.f32 v30, v47  }
0x94: {  	v62 =	vmax.f32 v55, v47;
	v22 =	vsub.f32 v26, v47;
	v37 =	vmin.f32 v37, v26  }
0x95: {  	v35 =	vmin.f32 v35, v26;
	v33 =	vmin.f32 v33, v26;
	v63 =	vmin.f32 v57, v26  }
0x96: {  	v40 =	vmin.f32 v40, v26;
	v36 =	vmin.f32 v59, v26;
	v33 =	vsub.f32 v33, v29;
	v29 =	vld.idx.msk [tilespmem:v25+s8+$0x0], $0xffff  }
0x97: {  	v38 =	vmin.f32 v49, v26;
	v34 =	vsub.f32 v37, v60;
	v35 =	vsub.f32 v35, v61  }
0x98: {  	s20 =	simm.s32 $0x2;
	s18 =	simm.s32 $0x0;
	s17 =	simm.s32 $0x0;
	v27 =	vld.idx.msk [tilespmem:v27+s8+$0x0], $0xffff;
	v25 =	vsub.f32 v63, v62;
	v37 =	vsub.f32 v40, v39;
	v31 =	vmax.f32 v31, v47  }
.LBB2_2:
0x99: {  	p0 =	sne.s32 s20, $0xF;
	v26 =	vmin.f32 v28, v26;
	v28 =	vsub.f32 v38, v32;
	v30 =	vsub.f32 v36, v30  }
0x9a: {  	v32 =	vmax.f32 v33, $0.0e+00;
	v26 =	vsub.f32 v26, v31;
	v31 =	vmax.f32 v35, $0.0e+00  }
0x9b: {  	v34 =	vmax.f32 v34, $0.0e+00;
	v33 =	vmax.f32 v37, $0.0e+00;
	v5 =	vmax.f32 v5, v29  }
0x9c: {  	v16 =	vmax.f32 v16, v29;
	v11 =	vmax.f32 v11, v29;
	v8 =	vmax.f32 v8, v29  }
0x9d: {  	v23 =	vmax.f32 v23, v29;
	v21 =	vmax.f32 v21, v29;
	v17 =	vmax.f32 v17, v29  }
0x9e: {  	v24 =	vmax.f32 v24, v29;
	v35 =	vsub.f32 v27, v29;
	v4 =	vmin.f32 v4, v27  }
0x9f: {  	v12 =	vmin.f32 v12, v27;
	v10 =	vmin.f32 v10, v27;
	v6 =	vmin.f32 v6, v27  }
0xa0: {  	v18 =	vmin.f32 v18, v27;
	v15 =	vmin.f32 v15, v27;
	v4 =	vsub.f32 v4, v5  }
0xa1: {  	v5 =	vmin.f32 v20, v27;
	v10 =	vsub.f32 v10, v11;
	v6 =	vsub.f32 v6, v8  }
0xa2: {  	v11 =	vsub.f32 v15, v17;
	v12 =	vsub.f32 v12, v16;
	v8 =	vmul.f32 v35, v22  }
0xa3: {  	v15 =	vmin.f32 v19, v27;
	v16 =	vsub.f32 v18, v21;
	v5 =	vsub.f32 v5, v23  }
0xa4: {  	v17 =	vmax.f32 v25, $0.0e+00;
	v15 =	vsub.f32 v15, v24;
	v0 =	vadd.f32 v0, v8  }
0xa5: {  	v18 =	vmax.f32 v30, $0.0e+00;
	v2 =	vadd.f32 v2, v8;
	v1 =	vadd.f32 v1, v8  }
0xa6: {  	v19 =	vmax.f32 v28, $0.0e+00;
	v7 =	vadd.f32 v7, v8;
	v3 =	vadd.f32 v3, v8  }
0xa7: {  	v20 =	vmax.f32 v26, $0.0e+00;
	v13 =	vadd.f32 v13, v8;
	v9 =	vadd.f32 v9, v8  }
0xa8: {  	v4 =	vmax.f32 v4, $0.0e+00;
	v15 =	vmax.f32 v15, $0.0e+00;
	v8 =	vadd.f32 v14, v8  }
0xa9: {  	v6 =	vmax.f32 v6, $0.0e+00;
	v5 =	vmax.f32 v5, $0.0e+00;
	v14 =	vmul.f32 v15, v20  }
0xaa: {  	v10 =	vmax.f32 v10, $0.0e+00;
	v5 =	vmul.f32 v5, v19;
	v15 =	vmax.f32 v16, $0.0e+00  }
0xab: {  	v11 =	vmax.f32 v11, $0.0e+00;
	v15 =	vmul.f32 v15, v18;
	v8 =	vsub.f32 v8, v14  }
0xac: {  	v12 =	vmax.f32 v12, $0.0e+00;
	v11 =	vmul.f32 v11, v17;
	v13 =	vsub.f32 v13, v5  }
0xad: {  	s16 =	sadd.s32 $0x80, s16;
	v12 =	vmul.f32 v12, v33;
	v9 =	vsub.f32 v9, v15;
	(erf) = vrcp.f32 v8  }
0xae: {  	v7 =	vsub.f32 v7, v11;
	v8 =	vmul.f32 v10, v34;
	v10 =	vld [tilespmem:s16+$0x20];
	(erf) = vrcp.f32 v13  }
0xaf: {  	v6 =	vmul.f32 v6, v31;
	v3 =	vsub.f32 v3, v12;
	v13 =	vld [tilespmem:s16+$0x10];
	(erf) = vrcp.f32 v9  }
0xb0: {  	v4 =	vmul.f32 v4, v32;
	v2 =	vsub.f32 v2, v8;
	v9 =	vld [tilespmem:s16+$0x0];
	(erf) = vrcp.f32 v7  }
0xb1: {  	v1 =	vsub.f32 v1, v6;
	v7 =	vld [tilespmem:s16+$0xFFFFFFF0];
	(erf) = vrcp.f32 v3  }
0xb2: {  	v0 =	vsub.f32 v0, v4;
	v3 =	vld [tilespmem:s16+$0xFFFFFFE0];
	(erf) = vrcp.f32 v2  }
0xb3: {  	v2 =	vld [tilespmem:s16+$0xFFFFFFC0];
	(erf) = vrcp.f32 v1  }
0xb4: {  	v1 =	vld [tilespmem:s16+$0xFFFFFFD0];
	(erf) = vrcp.f32 v0;
	_ =	sdelay $0x1  }
0xb5: {  	vm0 =	veq.f32 v10, $0.0e+00;
	vm1 =	veq.f32 v13, $0.0e+00;
	v0 =	vpop (erf)  }
0xb6: {  	vm3 =	veq.f32 v9, $0.0e+00;
	vm2 =	veq.f32 v7, $0.0e+00;
	v0 =	vmul.f32 v0, v14;
	v7 =	vpop (erf)  }
0xb7: {  	vm5 =	veq.f32 v3, $0.0e+00;
	vm4 =	veq.f32 v2, $0.0e+00;
	v2 =	vmul.f32 v7, v5;
	v3 =	vpop (erf)  }
0xb8: {  	v0 =	vmax.f32 v0, $-1.000000000e+09;
	vm6 =	veq.f32 v1, $0.0e+00;
	v1 =	vmul.f32 v3, v15;
	v3 =	vpop (erf)  }
0xb9: {  	v0 =	vnsel vm4, $0xCE6E6B28, v0;
	v2 =	vnsel vm6, $0xCE6E6B28, v2;
	v3 =	vmul.f32 v3, v11;
	v5 =	vld [tilespmem:s16+$0x30];
	v7 =	vpop (erf)  }
0xba: {  	v0 =	vmax.f32 v0, v2;
	v1 =	vnsel vm5, $0xCE6E6B28, v1;
	v2 =	vmul.f32 v7, v12;
	v7 =	vpop (erf)  }
0xbb: {  	v0 =	vmax.f32 v0, v1;
	v1 =	vnsel vm2, $0xCE6E6B28, v3;
	v3 =	vmul.f32 v7, v8;
	v7 =	vpop (erf)  }
0xbc: {  	v0 =	vmax.f32 v0, v1;
	v1 =	vnsel vm3, $0xCE6E6B28, v2;
	v2 =	vmul.f32 v7, v6;
	v6 =	vpop (erf)  }
0xbd: {  	s18 =	sadd.s32 $0x40, s18;
	v0 =	vmax.f32 v0, v1;
	v1 =	vnsel vm1, $0xCE6E6B28, v3;
	v3 =	vmul.f32 v6, v4  }
0xbe: {  	s17 =	sadd.s32 $0x10, s17;
	s21 =	sand.u32 $0x200, s18;
	v0 =	vmax.f32 v0, v1;
	v1 =	vnsel vm0, $0xCE6E6B28, v2;
	vm0 =	veq.f32 v5, $0.0e+00  }
0xbf: {  	s22 =	sand.u32 $0x70, s17;
	s21 =	sshrl.u32 s21, $0x2;
	v0 =	vmax.f32 v0, v1;
	v1 =	vnsel vm0, $0xCE6E6B28, v3  }
0xc0: {  	s21 =	sor.u32 s22, s21;
	v0 =	vmax.f32 v0, v1  }
0xc1: {  	s19 =	sadd.s32 $0x80, s19;
	[tilespmem:s21+$0x5800] =	vst v0  }
0xc2: {  	v0 =	vld [tilespmem:s19+$0xFFFFF070]  }
0xc3: {  	v1 =	vld [tilespmem:s19+$0xFFFFF870]  }
0xc4: {  	v2 =	vld [tilespmem:s19+$0xFFFFF060]  }
0xc5: {  	v3 =	vld [tilespmem:s19+$0xFFFFF860]  }
0xc6: {  	v7 =	vld [tilespmem:s19+$0xFFFFF050]  }
0xc7: {  	v9 =	vld [tilespmem:s19+$0xFFFFF850]  }
0xc8: {  	v12 =	vld [tilespmem:s19+$0xFFFFF040]  }
0xc9: {  	v13 =	vld [tilespmem:s19+$0xFFFFF840]  }
0xca: {  	v4 =	vld [tilespmem:s19+$0x70]  }
0xcb: {  	v6 =	vld [tilespmem:s19+$0x870]  }
0xcc: {  	v14 =	vld [tilespmem:s19+$0xFFFFF030]  }
0xcd: {  	v15 =	vld [tilespmem:s19+$0xFFFFF830]  }
0xce: {  	v10 =	vld [tilespmem:s19+$0x60]  }
0xcf: {  	v11 =	vld [tilespmem:s19+$0x860]  }
0xd0: {  	v18 =	vld [tilespmem:s19+$0xFFFFF020]  }
0xd1: {  	v19 =	vld [tilespmem:s19+$0xFFFFF820]  }
0xd2: {  	s21 =	sshll.u32 s20, $0x7;
	v16 =	vld [tilespmem:s19+$0x50]  }
0xd3: {  	v20 =	vmov s21;
	v17 =	vld [tilespmem:s19+$0x850]  }
0xd4: {  	v25 =	vor.u32 $0x1, v20;
	v5 =	vmul.f32 $5.000000000e-01, v4;
	v22 =	vld [tilespmem:s19+$0xFFFFF010]  }
0xd5: {  	v23 =	vor.u32 $0x2, v20;
	v27 =	vor.u32 $0x3, v20;
	v8 =	vmul.f32 $5.000000000e-01, v6;
	v24 =	vld [tilespmem:s19+$0xFFFFF810]  }
0xd6: {  	v29 =	vsub.f32 v0, v5;
	v33 =	vadd.f32 v5, v0;
	v26 =	vmul.f32 $5.000000000e-01, v10;
	v21 =	vld [tilespmem:s19+$0x40]  }
0xd7: {  	v0 =	vmul.f32 v6, v4;
	v5 =	vsub.f32 v1, v8;
	v30 =	vmul.f32 $5.000000000e-01, v11;
	v28 =	vld [tilespmem:s19+$0x840]  }
0xd8: {  	v4 =	vadd.f32 v8, v1;
	v34 =	vsub.f32 v2, v26;
	v32 =	vmul.f32 $5.000000000e-01, v16;
	v31 =	vld [tilespmem:s19+$0x30]  }
0xd9: {  	v1 =	vmul.f32 v11, v10;
	v36 =	vadd.f32 v26, v2;
	v8 =	vsub.f32 v3, v30;
	v35 =	vld [tilespmem:s19+$0x830]  }
0xda: {  	v6 =	vadd.f32 v30, v3;
	v10 =	vmul.f32 $5.000000000e-01, v17;
	v37 =	vsub.f32 v7, v32;
	v26 =	vld [tilespmem:s19+$0x20]  }
0xdb: {  	v2 =	vmul.f32 v17, v16;
	v38 =	vadd.f32 v32, v7;
	v30 =	vld [tilespmem:s19+$0xFFFFF000];
	v3 =	vmul.f32 $5.000000000e-01, v21  }
0xdc: {  	v11 =	vsub.f32 v9, v10;
	v10 =	vadd.f32 v10, v9;
	v32 =	vld [tilespmem:s19+$0x820];
	v7 =	vmul.f32 $5.000000000e-01, v28  }
0xdd: {  	v39 =	vld [tilespmem:s19+$0x10];
	v9 =	vmul.f32 $5.000000000e-01, v31;
	v40 =	vsub.f32 v12, v3;
	v41 =	vadd.f32 v3, v12  }
0xde: {  	v3 =	vmul.f32 v28, v21;
	v42 =	vld [tilespmem:s19+$0x810];
	v43 =	vmul.f32 $5.000000000e-01, v35;
	v16 =	vsub.f32 v13, v7  }
0xdf: {  	v12 =	vadd.f32 v7, v13;
	v44 =	vld [tilespmem:s19+$0x0];
	v21 =	vmul.f32 $5.000000000e-01, v26;
	v45 =	vsub.f32 v14, v9  }
0xe0: {  	v7 =	vmul.f32 v35, v31;
	v47 =	vadd.f32 v9, v14;
	v46 =	vld [tilespmem:s19+$0x800];
	v17 =	vsub.f32 v15, v43  }
0xe1: {  	v15 =	vadd.f32 v43, v15;
	v14 =	vld [tilespmem:s19+$0xFFFFF800];
	v13 =	vmul.f32 $5.000000000e-01, v32;
	v31 =	vsub.f32 v18, v21  }
0xe2: {  	v43 =	vadd.f32 v21, v18;
	v9 =	vmul.f32 v32, v26;
	v35 =	vld.idx.msk [tilespmem:v20+s8+$0x0], $0xffff;
	v20 =	vmul.f32 $5.000000000e-01, v39  }
0xe3: {  	v28 =	vmul.f32 $5.000000000e-01, v42;
	v21 =	vsub.f32 v19, v13;
	v18 =	vadd.f32 v13, v19  }
0xe4: {  	v26 =	vld.idx.msk [tilespmem:v23+s8+$0x0], $0xffff;
	v13 =	vmul.f32 $5.000000000e-01, v44;
	v32 =	vsub.f32 v22, v20;
	v48 =	vadd.f32 v20, v22  }
0xe5: {  	v19 =	vmul.f32 $5.000000000e-01, v46;
	v23 =	vsub.f32 v24, v28;
	v20 =	vadd.f32 v28, v24  }
0xe6: {  	v49 =	vsub.f32 v30, v13;
	v28 =	vadd.f32 v13, v30;
	v13 =	vmul.f32 v42, v39  }
0xe7: {  	v24 =	vsub.f32 v14, v19;
	v19 =	vadd.f32 v19, v14;
	v14 =	vmul.f32 v46, v44  }
0xe8: {  	v37 =	vmax.f32 v37, v35;
	v39 =	vmax.f32 v34, v35;
	v34 =	vmax.f32 v29, v35  }
0xe9: {  	v30 =	vmax.f32 v31, v35;
	v42 =	vmax.f32 v45, v35;
	v40 =	vmax.f32 v40, v35  }
.Ltmp0:
0xea: {  	v32 =	vmax.f32 v32, v35;
	v31 =	vmax.f32 v49, v35;
	v22 =	vsub.f32 v26, v35;
	(pc) =	sbr.rel @p0 .LBB2_2-.Ltmp0, $4  }
0xeb: {  	v35 =	vmin.f32 v36, v26;
	v33 =	vmin.f32 v33, v26;
	v29 =	vld.idx.msk [tilespmem:v25+s8+$0x0], $0xffff;
	v25 =	vmin.f32 v38, v26  }
0xec: {  	v44 =	vmin.f32 v47, v26;
	v41 =	vmin.f32 v41, v26;
	v33 =	vsub.f32 v33, v34  }
0xed: {  	v36 =	vmin.f32 v43, v26;
	v35 =	vsub.f32 v35, v39;
	v34 =	vsub.f32 v25, v37  }
0xee: {  	s20 =	sadd.s32 $0x1, s20;
	v38 =	vmin.f32 v48, v26;
	v25 =	vsub.f32 v44, v42;
	v37 =	vsub.f32 v41, v40;
	v27 =	vld.idx.msk [tilespmem:v27+s8+$0x0], $0xffff  }
0xef: {  	v26 =	vmin.f32 v28, v26;
	v54 =	vsub.f32 v38, v32;
	v30 =	vsub.f32 v36, v30  }
0xf0: {  	v55 =	vmax.f32 v35, $0.0e+00;
	v56 =	vmax.f32 v33, $0.0e+00;
	v34 =	vmax.f32 v34, $0.0e+00  }
0xf1: {  	v26 =	vsub.f32 v26, v31;
	v57 =	vmax.f32 v37, $0.0e+00;
	v5 =	vmax.f32 v5, v29  }
0xf2: {  	v16 =	vmax.f32 v16, v29;
	v11 =	vmax.f32 v11, v29;
	v8 =	vmax.f32 v8, v29  }
0xf3: {  	v23 =	vmax.f32 v23, v29;
	v21 =	vmax.f32 v21, v29;
	v17 =	vmax.f32 v17, v29  }
0xf4: {  	v24 =	vmax.f32 v24, v29;
	v25 =	vmax.f32 v25, $0.0e+00;
	v28 =	vmax.f32 v54, $0.0e+00  }
0xf5: {  	v58 =	vsub.f32 v27, v29;
	v4 =	vmin.f32 v4, v27;
	v12 =	vmin.f32 v12, v27  }
0xf6: {  	v10 =	vmin.f32 v10, v27;
	v6 =	vmin.f32 v6, v27;
	v18 =	vmin.f32 v18, v27  }
0xf7: {  	v15 =	vmin.f32 v15, v27;
	v59 =	vmin.f32 v20, v27;
	v4 =	vsub.f32 v4, v5  }
0xf8: {  	v62 =	vmin.f32 v19, v27;
	v10 =	vsub.f32 v10, v11;
	v6 =	vsub.f32 v6, v8  }
0xf9: {  	v27 =	vmax.f32 v30, $0.0e+00;
	v61 =	vsub.f32 v15, v17;
	v15 =	vsub.f32 v62, v24  }
0xfa: {  	v29 =	vmax.f32 v26, $0.0e+00;
	v12 =	vsub.f32 v12, v16;
	v5 =	vsub.f32 v59, v23  }
0xfb: {  	v63 =	vsub.f32 v18, v21;
	v60 =	vmul.f32 v58, v22;
	v15 =	vmax.f32 v15, $0.0e+00  }
0xfc: {  	v4 =	vmax.f32 v4, $0.0e+00;
	v5 =	vmax.f32 v5, $0.0e+00;
	v6 =	vmax.f32 v6, $0.0e+00  }
0xfd: {  	v35 =	vmax.f32 v63, $0.0e+00;
	v10 =	vmax.f32 v10, $0.0e+00;
	v11 =	vmax.f32 v61, $0.0e+00  }
0xfe: {  	v12 =	vmax.f32 v12, $0.0e+00;
	v0 =	vadd.f32 v0, v60;
	v2 =	vadd.f32 v2, v60  }
0xff: {  	v1 =	vadd.f32 v1, v60;
	v8 =	vadd.f32 v14, v60;
	v30 =	vmul.f32 v15, v29  }
0x100: {  	v7 =	vadd.f32 v7, v60;
	v13 =	vadd.f32 v13, v60;
	v5 =	vmul.f32 v5, v28  }
0x101: {  	v9 =	vadd.f32 v9, v60;
	v15 =	vmul.f32 v35, v27;
	v8 =	vsub.f32 v8, v30  }
0x102: {  	v3 =	vadd.f32 v3, v60;
	v11 =	vmul.f32 v11, v25;
	v13 =	vsub.f32 v13, v5  }
0x103: {  	s16 =	sadd.s32 $0x80, s16;
	v12 =	vmul.f32 v12, v57;
	v9 =	vsub.f32 v9, v15;
	(erf) = vrcp.f32 v8  }
0x104: {  	v37 =	vld [tilespmem:s16+$0x20];
	v36 =	vmul.f32 v10, v34;
	v7 =	vsub.f32 v7, v11;
	(erf) = vrcp.f32 v13  }
0x105: {  	v38 =	vld [tilespmem:s16+$0x10];
	v6 =	vmul.f32 v6, v55;
	v3 =	vsub.f32 v3, v12;
	(erf) = vrcp.f32 v9  }
0x106: {  	v39 =	vld [tilespmem:s16+$0x0];
	v4 =	vmul.f32 v4, v56;
	v2 =	vsub.f32 v2, v36;
	(erf) = vrcp.f32 v7  }
0x107: {  	v40 =	vld [tilespmem:s16+$0xFFFFFFF0];
	v1 =	vsub.f32 v1, v6;
	(erf) = vrcp.f32 v3  }
0x108: {  	v41 =	vld [tilespmem:s16+$0xFFFFFFE0];
	v0 =	vsub.f32 v0, v4;
	(erf) = vrcp.f32 v2  }
0x109: {  	v42 =	vld [tilespmem:s16+$0xFFFFFFC0];
	(erf) = vrcp.f32 v1  }
0x10a: {  	v43 =	vld [tilespmem:s16+$0xFFFFFFD0];
	(erf) = vrcp.f32 v0;
	_ =	sdelay $0x1  }
0x10b: {  	vm1 =	veq.f32 v38, $0.0e+00;
	vm0 =	veq.f32 v37, $0.0e+00;
	v44 =	vpop (erf)  }
0x10c: {  	vm2 =	veq.f32 v40, $0.0e+00;
	vm3 =	veq.f32 v39, $0.0e+00;
	v0 =	vmul.f32 v44, v30;
	v45 =	vpop (erf)  }
0x10d: {  	vm4 =	veq.f32 v42, $0.0e+00;
	vm5 =	veq.f32 v41, $0.0e+00;
	v46 =	vmul.f32 v45, v5;
	v47 =	vpop (erf)  }
0x10e: {  	vm6 =	veq.f32 v43, $0.0e+00;
	v0 =	vmax.f32 v0, $-1.000000000e+09;
	v48 =	vmul.f32 v47, v15;
	v49 =	vpop (erf)  }
0x10f: {  	v50 =	vld [tilespmem:s16+$0x30];
	v0 =	vnsel vm4, $0xCE6E6B28, v0;
	v2 =	vnsel vm6, $0xCE6E6B28, v46;
	v3 =	vmul.f32 v49, v11;
	v51 =	vpop (erf)  }
0x110: {  	v0 =	vmax.f32 v0, v2;
	v1 =	vnsel vm5, $0xCE6E6B28, v48;
	v52 =	vmul.f32 v51, v12;
	v53 =	vpop (erf)  }
0x111: {  	v0 =	vmax.f32 v0, v1;
	v54 =	vnsel vm2, $0xCE6E6B28, v3;
	v55 =	vmul.f32 v53, v36;
	v56 =	vpop (erf)  }
0x112: {  	v0 =	vmax.f32 v0, v54;
	v57 =	vnsel vm3, $0xCE6E6B28, v52;
	v58 =	vmul.f32 v56, v6;
	v59 =	vpop (erf)  }
0x113: {  	s31 =	sadd.s32 $0x40, s18;
	v0 =	vmax.f32 v0, v57;
	v60 =	vnsel vm1, $0xCE6E6B28, v55;
	v61 =	vmul.f32 v59, v4  }
0x114: {  	s17 =	sadd.s32 $0x10, s17;
	s16 =	sand.u32 $0x200, s31;
	vm15 =	veq.f32 v50, $0.0e+00;
	v0 =	vmax.f32 v0, v60;
	v62 =	vnsel vm0, $0xCE6E6B28, v58  }
0x115: {  	s15 =	sadd.s32 $0x1, s15;
	s17 =	sand.u32 $0x70, s17;
	s16 =	sshrl.u32 s16, $0x2;
	v0 =	vmax.f32 v0, v62;
	v63 =	vnsel vm15, $0xCE6E6B28, v61  }
0x116: {  	p0 =	sne.s32 s15, s7;
	s16 =	sor.u32 s17, s16;
	v0 =	vmax.f32 v0, v63  }
.Ltmp1:
0x117: {  	[tilespmem:s16+$0x5800] =	vst v0;
	(pc) =	sbr.rel @p0 .LBB2_1-.Ltmp1, $4  }
0x118: {  	[hbm4b:s6+s2] =	stream.linear.scatter [tilespmem:s14], [sflag:$0x2], $0x100, $0x38;
	[tilespmem:$0x5900] =	vst v63  }
0x119: {  	_ =	swait.ge [sflag:s9], $0x100  }
0x11a: {  	[sflag:s9] =	ssyncset.done $0x0  }
0x11b: {  	[sflag:s9] =	ssyncadd.s32 $0xFFFFFF00  }
0x11c: {  	_ =	sfence.sel $0x180000  }
0x11d: {  	[bflag:$0x0] =	sbarrier.arrive $0xFFFF  }
0x11e: {  	p0 =	sne.s32 s1, $0x0;
	_ =	strace $0x90000047  }
0x11f: {  	s0 =	sadd.s32 @!p0 $0x100000, s0;
	[bflag:$0x2] =	sbarrier.arrive $0xFFFF  }
0x120: {  	[sflag:s0] =	ssyncadd.tile.s32 @!p0 $0x1;
	_ =	shalt  }
.Lfunc_end2:
_tile_overlayer_lowered:
.L_overlay_start_2:
0x121: {  	(tag) =	ssettag $0x2  }
0x122: {  	s0 =	rddreg [dreg:$0x0];
	s2 =	stileid.u32  }
0x123: {  	s1 =	rddreg [dreg:$0x1];
	p0 =	sne.s32 s2, $0x0  }
0x124: {  	s3 =	rddreg [dreg:$0x2];
	[bflag:$0x3] =	sbarrier.arrive $0xFFFF;
	s2 =	simm.s32 @!p0 $0x1C02  }
0x125: {  	[timem:s3], [sflag:s2] =	dma.local @!p0 [hbm:s0], s1  }
0x126: {  	s0 =	simm.s32 @!p0 $0x2  }
0x127: {  	_ =	swait.ge @!p0 [sflag:s0], s1  }
0x128: {  	s1 =	ssub.s32 @!p0 $0x0, s1;
	[sflag:s0] =	ssyncset.done @!p0 $0x0  }
0x129: {  	[sflag:s0] =	ssyncadd.s32 @!p0 s1  }
0x12a: {  	[bflag:$0x3] =	sbarrier.arrive $0xFFFF  }
0x12b: {  	_ =	shalt  }

</sc_bundles>
